<compile_context>
chip_gen: v7x
topology: tpu7x:2x2x1
jax: 0.10.2.dev20260603
libtpu: 0.0.44.dev20260713+nightly
codegen_flags: <defaults>
</compile_context>

<pallas_src>
import functools

import jax
import jax.numpy as jnp
from jax import lax
from jax.experimental import pallas as pl
from jax.experimental.pallas import tpu as pltpu
from jax.experimental.pallas import tpu_sc as plsc


def _sc_partials(feature, label, *, n, num_workers=32):
    rows = n // 64
    base = rows // num_workers
    rem = rows % num_workers
    cg = 1
    for d in range(330, 0, -1):
        if base % d == 0:
            cg = d
            break
    k_chunks = base // cg

    mesh = plsc.VectorSubcoreMesh(
        core_axis_name="c", subcore_axis_name="s",
        num_cores=2, num_subcores=num_workers // 2)

    @functools.partial(
        pl.kernel,
        out_type=jax.ShapeDtypeStruct((num_workers, 4, 16), jnp.float32),
        mesh=mesh,
        compiler_params=pltpu.CompilerParams(needs_layout_passes=False),
        scratch_types=[
            pltpu.VMEM((cg * 64,), jnp.float32),
            pltpu.VMEM((cg * 64,), jnp.float32),
            pltpu.VMEM((cg * 64,), jnp.float32),
            pltpu.VMEM((cg * 64,), jnp.float32),
            pltpu.VMEM((cg * 64,), jnp.float32),
            pltpu.VMEM((cg * 64,), jnp.float32),
            pltpu.SemaphoreType.DMA,
            pltpu.SemaphoreType.DMA,
            pltpu.VMEM((64,), jnp.float32),
            pltpu.VMEM((32,), jnp.float32),
            pltpu.VMEM((32,), jnp.float32),
            pltpu.VMEM((64,), jnp.float32),
            pltpu.VMEM((32,), jnp.float32),
            pltpu.VMEM((32,), jnp.float32),
            pltpu.VMEM((4, 16), jnp.float32),
        ],
    )
    def sc_kernel(fx_hbm, fy_hbm, label_hbm, part_hbm, fxbuf, fybuf, lbuf,
                  fxbuf2, fybuf2, lbuf2, sema, semb,
                  s1, s2, cnt, s1b, s2b, cntb, obuf):
        wid = lax.axis_index("s") * 2 + lax.axis_index("c")
        rstart = wid * base + jnp.minimum(wid, rem)

        iota = lax.iota(jnp.int32, 16)
        dbl = iota + iota
        par = lax.bitwise_and(iota, 1)
        zeros = jnp.zeros((16,), jnp.float32)
        ones = jnp.ones((16,), jnp.float32)

        for t in (s1, s1b):
            for o in (0, 16, 32, 48):
                t[pl.ds(o, 16)] = zeros
        for t in (s2, cnt, s2b, cntb):
            t[pl.ds(0, 16)] = zeros
            t[pl.ds(16, 16)] = zeros

        def group_into(g, t1, t2, tc, fx, fy, lb):
            b16 = g * 16
            lab = lb[pl.ds(b16, 16)]
            labi = lab.astype(jnp.int32)
            vx = fx[pl.ds(b16, 16)]
            vy = fy[pl.ds(b16, 16)]
            b2 = labi + labi + par
            b4 = b2 + b2
            plsc.addupdate_scatter(tc, [b2], ones)
            plsc.addupdate_scatter(t1, [b4], vx)
            plsc.addupdate_scatter(t1, [b4 + 1], vy)
            plsc.addupdate_scatter(t2, [b2], vx * vx + vy * vy)

        sets = ((fxbuf, fybuf, lbuf, sema), (fxbuf2, fybuf2, lbuf2, semb))

        def issue(k):
            fx, fy, lb, sem = sets[k % 2]
            soff = (rstart + k * cg) * 64
            return (
                pltpu.async_copy(fx_hbm.at[pl.ds(soff, cg * 64)], fx, sem),
                pltpu.async_copy(fy_hbm.at[pl.ds(n + soff, cg * 64)], fy, sem),
                pltpu.async_copy(label_hbm.at[pl.ds(soff, cg * 64)], lb, sem),
            )

        handles = issue(0)
        for k in range(k_chunks):
            nxt = issue(k + 1) if k + 1 < k_chunks else None
            for h in handles:
                h.wait()
            fx, fy, lb, _sem = sets[k % 2]

            @plsc.parallel_loop(0, cg * 2, step=1, unroll=4)
            def _groups(p):
                g0 = p + p
                group_into(g0, s1, s2, cnt, fx, fy, lb)
                group_into(g0 + 1, s1b, s2b, cntb, fx, fy, lb)
            handles = nxt

        @pl.when(wid < rem)
        def _tail():
            soff = (rstart + base) * 64
            pltpu.sync_copy(fx_hbm.at[pl.ds(soff, 64)],
                            fxbuf.at[pl.ds(0, 64)])
            pltpu.sync_copy(fy_hbm.at[pl.ds(n + soff, 64)],
                            fybuf.at[pl.ds(0, 64)])
            pltpu.sync_copy(label_hbm.at[pl.ds(soff, 64)],
                            lbuf.at[pl.ds(0, 64)])

            def tail_body(g, _):
                group_into(g, s1, s2, cnt, fxbuf, fybuf, lbuf)
                return _
            lax.fori_loop(0, 4, tail_body, None, unroll=2)

        for o in (0, 16, 32, 48):
            s1[pl.ds(o, 16)] += s1b[pl.ds(o, 16)]
        for o in (0, 16):
            s2[pl.ds(o, 16)] += s2b[pl.ds(o, 16)]
            cnt[pl.ds(o, 16)] += cntb[pl.ds(o, 16)]
        q = dbl + dbl
        obuf[0, :] = (plsc.load_gather(s1, [q]) +
                      plsc.load_gather(s1, [q + 1]))
        obuf[1, :] = (plsc.load_gather(s1, [q + 2]) +
                      plsc.load_gather(s1, [q + 3]))
        obuf[2, :] = (plsc.load_gather(s2, [dbl]) +
                      plsc.load_gather(s2, [dbl + 1]))
        obuf[3, :] = (plsc.load_gather(cnt, [dbl]) +
                      plsc.load_gather(cnt, [dbl + 1]))
        pltpu.sync_copy(obuf, part_hbm.at[wid])

    fxy = feature.T.reshape(-1)
    return sc_kernel(fxy, fxy, label)


def _tc_combine(partials, center_t, lam, *, n):
    def body(p_ref, ct_ref, lam_ref, o_ref):
        r = jnp.sum(p_ref[...], axis=0)
        s1x = r[0:1, :]
        s1y = r[1:2, :]
        s2c = r[2:3, :]
        cntc = r[3:4, :]
        cx = ct_ref[0:1, :]
        cy = ct_ref[1:2, :]
        num = s2c - 2.0 * (cx * s1x + cy * s1y)
        per = jnp.where(cntc > 0.0,
                        num / jnp.maximum(cntc, 1.0) + cx * cx + cy * cy,
                        0.0)
        total = jnp.sum(per) * lam_ref[0, 0] * (0.5 / n)
        o_ref[...] = jnp.broadcast_to(total, (1, 1))

    return pl.pallas_call(
        body,
        out_shape=jax.ShapeDtypeStruct((1, 1), jnp.float32),
    )(partials, center_t, lam)


def kernel(feature, label, lambdas, center):
    n = feature.shape[0]
    partials = _sc_partials(feature, label, n=n)
    center_t = jnp.zeros((2, 16), jnp.float32).at[:, : center.shape[0]].set(
        center.T)
    lam = jnp.asarray(lambdas, jnp.float32).reshape(1, 1)
    loss = _tc_combine(partials, center_t, lam, n=n)
    return loss[0, 0]

# --- scband reference (transcript-rebuilt; emitter-appended) ---
"""Pipeline reference for scband-centerloss-net-9242769621384 (READ-ONLY COPY).

The authoritative reference and input builder live on the scoring server;
editing this copy changes nothing except your own understanding.
"""

import jax, jax.numpy as jnp
import numpy as np


def setup_inputs(seed: int = 0) -> dict:
    key = jax.random.key(seed)
    k1, k2, k3 = jax.random.split(key, 3)
    N = 2000000
    feature = jax.random.normal(k1, (N, 2), dtype=jnp.float32)
    label = jax.random.randint(k2, (N,), 0, 10).astype(jnp.float32)
    lambdas = jnp.array(1.0, dtype=jnp.float32)
    center = jax.random.normal(k3, (10, 2), dtype=jnp.float32)
    return {"feature": feature, "label": label, "lambdas": lambdas, "center": center}


def reference(feature, label, lambdas, center):
    label_int = label.astype(jnp.int32)
    # center.index_select(0, label)
    center_exp = jnp.take(center, label_int, axis=0)
    # torch.histc(label, bins=max(label)+1, min=0, max=max(label)) for integer-valued
    # float labels is equivalent to a bincount over [0, max].
    bins = center.shape[0]
    count = jnp.bincount(label_int, length=bins).astype(feature.dtype)
    count_exp = jnp.take(count, label_int, axis=0)
    sq = jnp.sum(jnp.power(feature - center_exp, 2), axis=1)
    center_loss = lambdas / 2 * jnp.mean(jnp.divide(sq, count_exp))
    return center_loss

if __name__ == "__main__":
    import jax
    _d = setup_inputs()
    print(jax.jit(kernel)(*tuple(_d.values())))

</pallas_src>

<mosaic_0001>
#map = affine_map<(d0, d1) -> (0)>
#map1 = affine_map<(d0, d1) -> (0, 0, 0)>
module attributes {stable_mosaic.version = 14 : i64} {
  func.func @sc_kernel(%arg0: i32, %arg1: i32, %arg2: memref<4000000xf32, #tpu.memory_space<hbm>>, %arg3: memref<4000000xf32, #tpu.memory_space<hbm>>, %arg4: memref<2000000xf32, #tpu.memory_space<hbm>>, %arg5: memref<32x4x16xf32, #tpu.memory_space<hbm>>, %arg6: memref<15616xf32, #tpu.memory_space<vmem>>, %arg7: memref<15616xf32, #tpu.memory_space<vmem>>, %arg8: memref<15616xf32, #tpu.memory_space<vmem>>, %arg9: memref<15616xf32, #tpu.memory_space<vmem>>, %arg10: memref<15616xf32, #tpu.memory_space<vmem>>, %arg11: memref<15616xf32, #tpu.memory_space<vmem>>, %arg12: memref<!tpu.dma_semaphore, #tpu.memory_space<semaphore_mem>>, %arg13: memref<!tpu.dma_semaphore, #tpu.memory_space<semaphore_mem>>, %arg14: memref<64xf32, #tpu.memory_space<vmem>>, %arg15: memref<32xf32, #tpu.memory_space<vmem>>, %arg16: memref<32xf32, #tpu.memory_space<vmem>>, %arg17: memref<64xf32, #tpu.memory_space<vmem>>, %arg18: memref<32xf32, #tpu.memory_space<vmem>>, %arg19: memref<32xf32, #tpu.memory_space<vmem>>, %arg20: memref<4x16xf32, #tpu.memory_space<vmem>>) attributes {dimension_semantics = [#tpu.dimension_semantics<core_parallel>, #tpu.dimension_semantics<subcore_parallel>], iteration_bounds = array<i64: 2, 16>, scalar_prefetch = 0 : i64, scratch_operands = 15 : i64, tpu.core_type = #tpu.core_type<sc_vector_subcore>, window_params = [{transform_indices = #map}, {transform_indices = #map}, {transform_indices = #map}, {transform_indices = #map1}]} {
    %mul3A = arith.constant 2 : i32
    %mul3A_0 = arith.muli %arg1, %mul3A : i32
    %add3A = arith.addi %mul3A_0, %arg0 : i32
    %mul3A_1 = arith.constant 976 : i32
    %mul3A_2 = arith.muli %add3A, %mul3A_1 : i32
    %min3A = arith.constant 18 : i32
    %min3A_3 = arith.minsi %add3A, %min3A : i32
    %add3A_4 = arith.addi %mul3A_2, %min3A_3 : i32
    %iota3A = tpu.iota {dimensions = array<i32: 0>} : vector<16xi32>
    %add3A_5 = arith.addi %iota3A, %iota3A : vector<16xi32>
    %and3A = arith.constant 1 : i32
    %and3A_6 = vector.broadcast %and3A : i32 to vector<16xi32>
    %and3A_7 = arith.andi %iota3A, %and3A_6 : vector<16xi32>
    %broadcast_in_dim3A = arith.constant 0.000000e+00 : f32
    %broadcast_in_dim3A_8 = vector.broadcast %broadcast_in_dim3A : f32 to vector<16xf32>
    %broadcast_in_dim3A_9 = arith.constant 1.000000e+00 : f32
    %broadcast_in_dim3A_10 = vector.broadcast %broadcast_in_dim3A_9 : f32 to vector<16xf32>
    %swap3A = arith.constant 0 : index
    %swap3A_11 = tpu.vector_load %arg14[%swap3A] {strides = array<i32>} : memref<64xf32, #tpu.memory_space<vmem>>, vector<16xf32>,
    tpu.vector_store %arg14[%swap3A], %broadcast_in_dim3A_8 {strides = array<i32>} : memref<64xf32, #tpu.memory_space<vmem>>, vector<16xf32>,
    %swap3A_12 = arith.constant 16 : index
    %swap3A_13 = tpu.vector_load %arg14[%swap3A_12] {strides = array<i32>} : memref<64xf32, #tpu.memory_space<vmem>>, vector<16xf32>,
    tpu.vector_store %arg14[%swap3A_12], %broadcast_in_dim3A_8 {strides = array<i32>} : memref<64xf32, #tpu.memory_space<vmem>>, vector<16xf32>,
    %swap3A_14 = arith.constant 32 : index
    %swap3A_15 = tpu.vector_load %arg14[%swap3A_14] {strides = array<i32>} : memref<64xf32, #tpu.memory_space<vmem>>, vector<16xf32>,
    tpu.vector_store %arg14[%swap3A_14], %broadcast_in_dim3A_8 {strides = array<i32>} : memref<64xf32, #tpu.memory_space<vmem>>, vector<16xf32>,
    %swap3A_16 = arith.constant 48 : index
    %swap3A_17 = tpu.vector_load %arg14[%swap3A_16] {strides = array<i32>} : memref<64xf32, #tpu.memory_space<vmem>>, vector<16xf32>,
    tpu.vector_store %arg14[%swap3A_16], %broadcast_in_dim3A_8 {strides = array<i32>} : memref<64xf32, #tpu.memory_space<vmem>>, vector<16xf32>,
    %swap3A_18 = arith.constant 0 : index
    %swap3A_19 = tpu.vector_load %arg17[%swap3A_18] {strides = array<i32>} : memref<64xf32, #tpu.memory_space<vmem>>, vector<16xf32>,
    tpu.vector_store %arg17[%swap3A_18], %broadcast_in_dim3A_8 {strides = array<i32>} : memref<64xf32, #tpu.memory_space<vmem>>, vector<16xf32>,
    %swap3A_20 = arith.constant 16 : index
    %swap3A_21 = tpu.vector_load %arg17[%swap3A_20] {strides = array<i32>} : memref<64xf32, #tpu.memory_space<vmem>>, vector<16xf32>,
    tpu.vector_store %arg17[%swap3A_20], %broadcast_in_dim3A_8 {strides = array<i32>} : memref<64xf32, #tpu.memory_space<vmem>>, vector<16xf32>,
    %swap3A_22 = arith.constant 32 : index
    %swap3A_23 = tpu.vector_load %arg17[%swap3A_22] {strides = array<i32>} : memref<64xf32, #tpu.memory_space<vmem>>, vector<16xf32>,
    tpu.vector_store %arg17[%swap3A_22], %broadcast_in_dim3A_8 {strides = array<i32>} : memref<64xf32, #tpu.memory_space<vmem>>, vector<16xf32>,
    %swap3A_24 = arith.constant 48 : index
    %swap3A_25 = tpu.vector_load %arg17[%swap3A_24] {strides = array<i32>} : memref<64xf32, #tpu.memory_space<vmem>>, vector<16xf32>,
    tpu.vector_store %arg17[%swap3A_24], %broadcast_in_dim3A_8 {strides = array<i32>} : memref<64xf32, #tpu.memory_space<vmem>>, vector<16xf32>,
    %swap3A_26 = arith.constant 0 : index
    %swap3A_27 = tpu.vector_load %arg15[%swap3A_26] {strides = array<i32>} : memref<32xf32, #tpu.memory_space<vmem>>, vector<16xf32>,
    tpu.vector_store %arg15[%swap3A_26], %broadcast_in_dim3A_8 {strides = array<i32>} : memref<32xf32, #tpu.memory_space<vmem>>, vector<16xf32>,
    %swap3A_28 = arith.constant 16 : index
    %swap3A_29 = tpu.vector_load %arg15[%swap3A_28] {strides = array<i32>} : memref<32xf32, #tpu.memory_space<vmem>>, vector<16xf32>,
    tpu.vector_store %arg15[%swap3A_28], %broadcast_in_dim3A_8 {strides = array<i32>} : memref<32xf32, #tpu.memory_space<vmem>>, vector<16xf32>,
    %swap3A_30 = arith.constant 0 : index
    %swap3A_31 = tpu.vector_load %arg16[%swap3A_30] {strides = array<i32>} : memref<32xf32, #tpu.memory_space<vmem>>, vector<16xf32>,
    tpu.vector_store %arg16[%swap3A_30], %broadcast_in_dim3A_8 {strides = array<i32>} : memref<32xf32, #tpu.memory_space<vmem>>, vector<16xf32>,
    %swap3A_32 = arith.constant 16 : index
    %swap3A_33 = tpu.vector_load %arg16[%swap3A_32] {strides = array<i32>} : memref<32xf32, #tpu.memory_space<vmem>>, vector<16xf32>,
    tpu.vector_store %arg16[%swap3A_32], %broadcast_in_dim3A_8 {strides = array<i32>} : memref<32xf32, #tpu.memory_space<vmem>>, vector<16xf32>,
    %swap3A_34 = arith.constant 0 : index
    %swap3A_35 = tpu.vector_load %arg18[%swap3A_34] {strides = array<i32>} : memref<32xf32, #tpu.memory_space<vmem>>, vector<16xf32>,
    tpu.vector_store %arg18[%swap3A_34], %broadcast_in_dim3A_8 {strides = array<i32>} : memref<32xf32, #tpu.memory_space<vmem>>, vector<16xf32>,
    %swap3A_36 = arith.constant 16 : index
    %swap3A_37 = tpu.vector_load %arg18[%swap3A_36] {strides = array<i32>} : memref<32xf32, #tpu.memory_space<vmem>>, vector<16xf32>,
    tpu.vector_store %arg18[%swap3A_36], %broadcast_in_dim3A_8 {strides = array<i32>} : memref<32xf32, #tpu.memory_space<vmem>>, vector<16xf32>,
    %swap3A_38 = arith.constant 0 : index
    %swap3A_39 = tpu.vector_load %arg19[%swap3A_38] {strides = array<i32>} : memref<32xf32, #tpu.memory_space<vmem>>, vector<16xf32>,
    tpu.vector_store %arg19[%swap3A_38], %broadcast_in_dim3A_8 {strides = array<i32>} : memref<32xf32, #tpu.memory_space<vmem>>, vector<16xf32>,
    %swap3A_40 = arith.constant 16 : index
    %swap3A_41 = tpu.vector_load %arg19[%swap3A_40] {strides = array<i32>} : memref<32xf32, #tpu.memory_space<vmem>>, vector<16xf32>,
    tpu.vector_store %arg19[%swap3A_40], %broadcast_in_dim3A_8 {strides = array<i32>} : memref<32xf32, #tpu.memory_space<vmem>>, vector<16xf32>,
    %add3A_42 = arith.constant 0 : i32
    %add3A_43 = arith.addi %add3A_4, %add3A_42 : i32
    %mul3A_44 = arith.constant 64 : i32
    %mul3A_45 = arith.muli %add3A_43, %mul3A_44 : i32
    %dma_start3A = tpu.memref_slice %arg2[%mul3A_45] : memref<4000000xf32, #tpu.memory_space<hbm>> -> memref<15616xf32, #tpu.memory_space<hbm>>
    %dma_start3A_46 = tpu.memref_slice %arg2[%mul3A_45] : memref<4000000xf32, #tpu.memory_space<hbm>> -> memref<15616xf32, #tpu.memory_space<hbm>>
    tpu.enqueue_dma source(%dma_start3A_46 : memref<15616xf32, #tpu.memory_space<hbm>>) target(%arg6 : memref<15616xf32, #tpu.memory_space<vmem>>) target_semaphore(%arg12 : memref<!tpu.dma_semaphore, #tpu.memory_space<semaphore_mem>>)
    %add3A_47 = arith.constant 2000000 : i32
    %add3A_48 = arith.addi %add3A_47, %mul3A_45 : i32
    %dma_start3A_49 = tpu.memref_slice %arg3[%add3A_48] : memref<4000000xf32, #tpu.memory_space<hbm>> -> memref<15616xf32, #tpu.memory_space<hbm>>
    %dma_start3A_50 = tpu.memref_slice %arg3[%add3A_48] : memref<4000000xf32, #tpu.memory_space<hbm>> -> memref<15616xf32, #tpu.memory_space<hbm>>
    tpu.enqueue_dma source(%dma_start3A_50 : memref<15616xf32, #tpu.memory_space<hbm>>) target(%arg7 : memref<15616xf32, #tpu.memory_space<vmem>>) target_semaphore(%arg12 : memref<!tpu.dma_semaphore, #tpu.memory_space<semaphore_mem>>)
    %dma_start3A_51 = tpu.memref_slice %arg4[%mul3A_45] : memref<2000000xf32, #tpu.memory_space<hbm>> -> memref<15616xf32, #tpu.memory_space<hbm>>
    %dma_start3A_52 = tpu.memref_slice %arg4[%mul3A_45] : memref<2000000xf32, #tpu.memory_space<hbm>> -> memref<15616xf32, #tpu.memory_space<hbm>>
    tpu.enqueue_dma source(%dma_start3A_52 : memref<15616xf32, #tpu.memory_space<hbm>>) target(%arg8 : memref<15616xf32, #tpu.memory_space<vmem>>) target_semaphore(%arg12 : memref<!tpu.dma_semaphore, #tpu.memory_space<semaphore_mem>>)
    %add3A_53 = arith.constant 244 : i32
    %add3A_54 = arith.addi %add3A_4, %add3A_53 : i32
    %mul3A_55 = arith.constant 64 : i32
    %mul3A_56 = arith.muli %add3A_54, %mul3A_55 : i32
    %dma_start3A_57 = tpu.memref_slice %arg2[%mul3A_56] : memref<4000000xf32, #tpu.memory_space<hbm>> -> memref<15616xf32, #tpu.memory_space<hbm>>
    %dma_start3A_58 = tpu.memref_slice %arg2[%mul3A_56] : memref<4000000xf32, #tpu.memory_space<hbm>> -> memref<15616xf32, #tpu.memory_space<hbm>>
    tpu.enqueue_dma source(%dma_start3A_58 : memref<15616xf32, #tpu.memory_space<hbm>>) target(%arg9 : memref<15616xf32, #tpu.memory_space<vmem>>) target_semaphore(%arg13 : memref<!tpu.dma_semaphore, #tpu.memory_space<semaphore_mem>>)
    %add3A_59 = arith.constant 2000000 : i32
    %add3A_60 = arith.addi %add3A_59, %mul3A_56 : i32
    %dma_start3A_61 = tpu.memref_slice %arg3[%add3A_60] : memref<4000000xf32, #tpu.memory_space<hbm>> -> memref<15616xf32, #tpu.memory_space<hbm>>
    %dma_start3A_62 = tpu.memref_slice %arg3[%add3A_60] : memref<4000000xf32, #tpu.memory_space<hbm>> -> memref<15616xf32, #tpu.memory_space<hbm>>
    tpu.enqueue_dma source(%dma_start3A_62 : memref<15616xf32, #tpu.memory_space<hbm>>) target(%arg10 : memref<15616xf32, #tpu.memory_space<vmem>>) target_semaphore(%arg13 : memref<!tpu.dma_semaphore, #tpu.memory_space<semaphore_mem>>)
    %dma_start3A_63 = tpu.memref_slice %arg4[%mul3A_56] : memref<2000000xf32, #tpu.memory_space<hbm>> -> memref<15616xf32, #tpu.memory_space<hbm>>
    %dma_start3A_64 = tpu.memref_slice %arg4[%mul3A_56] : memref<2000000xf32, #tpu.memory_space<hbm>> -> memref<15616xf32, #tpu.memory_space<hbm>>
    tpu.enqueue_dma source(%dma_start3A_64 : memref<15616xf32, #tpu.memory_space<hbm>>) target(%arg11 : memref<15616xf32, #tpu.memory_space<vmem>>) target_semaphore(%arg13 : memref<!tpu.dma_semaphore, #tpu.memory_space<semaphore_mem>>)
    %dma_wait3A = tpu.memref_slice %arg2[%mul3A_45] : memref<4000000xf32, #tpu.memory_space<hbm>> -> memref<15616xf32, #tpu.memory_space<hbm>>
    %dma_wait3A_65 = tpu.memref_slice %arg2[%mul3A_45] : memref<4000000xf32, #tpu.memory_space<hbm>> -> memref<15616xf32, #tpu.memory_space<hbm>>
    tpu.wait_dma2 semaphore(%arg12 : memref<!tpu.dma_semaphore, #tpu.memory_space<semaphore_mem>>) src(%dma_wait3A_65 : memref<15616xf32, #tpu.memory_space<hbm>>) dst(%arg6 : memref<15616xf32, #tpu.memory_space<vmem>>)
    %dma_wait3A_66 = tpu.memref_slice %arg3[%add3A_48] : memref<4000000xf32, #tpu.memory_space<hbm>> -> memref<15616xf32, #tpu.memory_space<hbm>>
    %dma_wait3A_67 = tpu.memref_slice %arg3[%add3A_48] : memref<4000000xf32, #tpu.memory_space<hbm>> -> memref<15616xf32, #tpu.memory_space<hbm>>
    tpu.wait_dma2 semaphore(%arg12 : memref<!tpu.dma_semaphore, #tpu.memory_space<semaphore_mem>>) src(%dma_wait3A_67 : memref<15616xf32, #tpu.memory_space<hbm>>) dst(%arg7 : memref<15616xf32, #tpu.memory_space<vmem>>)
    %dma_wait3A_68 = tpu.memref_slice %arg4[%mul3A_45] : memref<2000000xf32, #tpu.memory_space<hbm>> -> memref<15616xf32, #tpu.memory_space<hbm>>
    %dma_wait3A_69 = tpu.memref_slice %arg4[%mul3A_45] : memref<2000000xf32, #tpu.memory_space<hbm>> -> memref<15616xf32, #tpu.memory_space<hbm>>
    tpu.wait_dma2 semaphore(%arg12 : memref<!tpu.dma_semaphore, #tpu.memory_space<semaphore_mem>>) src(%dma_wait3A_69 : memref<15616xf32, #tpu.memory_space<hbm>>) dst(%arg8 : memref<15616xf32, #tpu.memory_space<vmem>>)
    %parallel_loop3A = arith.constant 0 : i32
    %parallel_loop3A_70 = arith.constant 488 : i32
    %parallel_loop3A_71 = arith.constant 1 : i32
    scf.for %parallel_loop3A_223 = %parallel_loop3A to %parallel_loop3A_70 step %parallel_loop3A_71  : i32 {
      %parallel_loop3A_224 = arith.addi %parallel_loop3A_223, %parallel_loop3A_223 : i32
      %parallel_loop3A_225 = arith.constant 16 : i32
      %parallel_loop3A_226 = arith.muli %parallel_loop3A_224, %parallel_loop3A_225 : i32
      %parallel_loop3A_227 = arith.index_cast %parallel_loop3A_226 : i32 to index
      %parallel_loop3A_228 = tpu.vector_load %arg8[%parallel_loop3A_227] {strides = array<i32>} : memref<15616xf32, #tpu.memory_space<vmem>>, vector<16xf32>,
      %parallel_loop3A_229 = arith.fptosi %parallel_loop3A_228 : vector<16xf32> to vector<16xi32>
      %parallel_loop3A_230 = arith.index_cast %parallel_loop3A_226 : i32 to index
      %parallel_loop3A_231 = tpu.vector_load %arg6[%parallel_loop3A_230] {strides = array<i32>} : memref<15616xf32, #tpu.memory_space<vmem>>, vector<16xf32>,
      %parallel_loop3A_232 = arith.index_cast %parallel_loop3A_226 : i32 to index
      %parallel_loop3A_233 = tpu.vector_load %arg7[%parallel_loop3A_232] {strides = array<i32>} : memref<15616xf32, #tpu.memory_space<vmem>>, vector<16xf32>,
      %parallel_loop3A_234 = arith.addi %parallel_loop3A_229, %parallel_loop3A_229 : vector<16xi32>
      %parallel_loop3A_235 = arith.addi %parallel_loop3A_234, %and3A_7 : vector<16xi32>
      %parallel_loop3A_236 = arith.addi %parallel_loop3A_235, %parallel_loop3A_235 : vector<16xi32>
      tpu.vector_store_idx %arg16[%parallel_loop3A_235], %broadcast_in_dim3A_10 {add = true} : memref<32xf32, #tpu.memory_space<vmem>>[vector<16xi32>], vector<16xf32>,
      tpu.vector_store_idx %arg14[%parallel_loop3A_236], %parallel_loop3A_231 {add = true} : memref<64xf32, #tpu.memory_space<vmem>>[vector<16xi32>], vector<16xf32>,
      %parallel_loop3A_237 = arith.constant 1 : i32
      %parallel_loop3A_238 = vector.broadcast %parallel_loop3A_237 : i32 to vector<16xi32>
      %parallel_loop3A_239 = arith.addi %parallel_loop3A_236, %parallel_loop3A_238 : vector<16xi32>
      tpu.vector_store_idx %arg14[%parallel_loop3A_239], %parallel_loop3A_233 {add = true} : memref<64xf32, #tpu.memory_space<vmem>>[vector<16xi32>], vector<16xf32>,
      %parallel_loop3A_240 = arith.mulf %parallel_loop3A_231, %parallel_loop3A_231 : vector<16xf32>
      %parallel_loop3A_241 = arith.mulf %parallel_loop3A_233, %parallel_loop3A_233 : vector<16xf32>
      %parallel_loop3A_242 = arith.addf %parallel_loop3A_240, %parallel_loop3A_241 : vector<16xf32>
      tpu.vector_store_idx %arg15[%parallel_loop3A_235], %parallel_loop3A_242 {add = true} : memref<32xf32, #tpu.memory_space<vmem>>[vector<16xi32>], vector<16xf32>,
      %parallel_loop3A_243 = arith.constant 1 : i32
      %parallel_loop3A_244 = arith.addi %parallel_loop3A_224, %parallel_loop3A_243 : i32
      %parallel_loop3A_245 = arith.constant 16 : i32
      %parallel_loop3A_246 = arith.muli %parallel_loop3A_244, %parallel_loop3A_245 : i32
      %parallel_loop3A_247 = arith.index_cast %parallel_loop3A_246 : i32 to index
      %parallel_loop3A_248 = tpu.vector_load %arg8[%parallel_loop3A_247] {strides = array<i32>} : memref<15616xf32, #tpu.memory_space<vmem>>, vector<16xf32>,
      %parallel_loop3A_249 = arith.fptosi %parallel_loop3A_248 : vector<16xf32> to vector<16xi32>
      %parallel_loop3A_250 = arith.index_cast %parallel_loop3A_246 : i32 to index
      %parallel_loop3A_251 = tpu.vector_load %arg6[%parallel_loop3A_250] {strides = array<i32>} : memref<15616xf32, #tpu.memory_space<vmem>>, vector<16xf32>,
      %parallel_loop3A_252 = arith.index_cast %parallel_loop3A_246 : i32 to index
      %parallel_loop3A_253 = tpu.vector_load %arg7[%parallel_loop3A_252] {strides = array<i32>} : memref<15616xf32, #tpu.memory_space<vmem>>, vector<16xf32>,
      %parallel_loop3A_254 = arith.addi %parallel_loop3A_249, %parallel_loop3A_249 : vector<16xi32>
      %parallel_loop3A_255 = arith.addi %parallel_loop3A_254, %and3A_7 : vector<16xi32>
      %parallel_loop3A_256 = arith.addi %parallel_loop3A_255, %parallel_loop3A_255 : vector<16xi32>
      tpu.vector_store_idx %arg19[%parallel_loop3A_255], %broadcast_in_dim3A_10 {add = true} : memref<32xf32, #tpu.memory_space<vmem>>[vector<16xi32>], vector<16xf32>,
      tpu.vector_store_idx %arg17[%parallel_loop3A_256], %parallel_loop3A_251 {add = true} : memref<64xf32, #tpu.memory_space<vmem>>[vector<16xi32>], vector<16xf32>,
      %parallel_loop3A_257 = arith.constant 1 : i32
      %parallel_loop3A_258 = vector.broadcast %parallel_loop3A_257 : i32 to vector<16xi32>
      %parallel_loop3A_259 = arith.addi %parallel_loop3A_256, %parallel_loop3A_258 : vector<16xi32>
      tpu.vector_store_idx %arg17[%parallel_loop3A_259], %parallel_loop3A_253 {add = true} : memref<64xf32, #tpu.memory_space<vmem>>[vector<16xi32>], vector<16xf32>,
      %parallel_loop3A_260 = arith.mulf %parallel_loop3A_251, %parallel_loop3A_251 : vector<16xf32>
      %parallel_loop3A_261 = arith.mulf %parallel_loop3A_253, %parallel_loop3A_253 : vector<16xf32>
      %parallel_loop3A_262 = arith.addf %parallel_loop3A_260, %parallel_loop3A_261 : vector<16xf32>
      tpu.vector_store_idx %arg18[%parallel_loop3A_255], %parallel_loop3A_262 {add = true} : memref<32xf32, #tpu.memory_space<vmem>>[vector<16xi32>], vector<16xf32>,
    } {sc.loop_unroll_factor = 4 : i64, sc.parallel_access}
    %add3A_72 = arith.constant 488 : i32
    %add3A_73 = arith.addi %add3A_4, %add3A_72 : i32
    %mul3A_74 = arith.constant 64 : i32
    %mul3A_75 = arith.muli %add3A_73, %mul3A_74 : i32
    %dma_start3A_76 = tpu.memref_slice %arg2[%mul3A_75] : memref<4000000xf32, #tpu.memory_space<hbm>> -> memref<15616xf32, #tpu.memory_space<hbm>>
    %dma_start3A_77 = tpu.memref_slice %arg2[%mul3A_75] : memref<4000000xf32, #tpu.memory_space<hbm>> -> memref<15616xf32, #tpu.memory_space<hbm>>
    tpu.enqueue_dma source(%dma_start3A_77 : memref<15616xf32, #tpu.memory_space<hbm>>) target(%arg6 : memref<15616xf32, #tpu.memory_space<vmem>>) target_semaphore(%arg12 : memref<!tpu.dma_semaphore, #tpu.memory_space<semaphore_mem>>)
    %add3A_78 = arith.constant 2000000 : i32
    %add3A_79 = arith.addi %add3A_78, %mul3A_75 : i32
    %dma_start3A_80 = tpu.memref_slice %arg3[%add3A_79] : memref<4000000xf32, #tpu.memory_space<hbm>> -> memref<15616xf32, #tpu.memory_space<hbm>>
    %dma_start3A_81 = tpu.memref_slice %arg3[%add3A_79] : memref<4000000xf32, #tpu.memory_space<hbm>> -> memref<15616xf32, #tpu.memory_space<hbm>>
    tpu.enqueue_dma source(%dma_start3A_81 : memref<15616xf32, #tpu.memory_space<hbm>>) target(%arg7 : memref<15616xf32, #tpu.memory_space<vmem>>) target_semaphore(%arg12 : memref<!tpu.dma_semaphore, #tpu.memory_space<semaphore_mem>>)
    %dma_start3A_82 = tpu.memref_slice %arg4[%mul3A_75] : memref<2000000xf32, #tpu.memory_space<hbm>> -> memref<15616xf32, #tpu.memory_space<hbm>>
    %dma_start3A_83 = tpu.memref_slice %arg4[%mul3A_75] : memref<2000000xf32, #tpu.memory_space<hbm>> -> memref<15616xf32, #tpu.memory_space<hbm>>
    tpu.enqueue_dma source(%dma_start3A_83 : memref<15616xf32, #tpu.memory_space<hbm>>) target(%arg8 : memref<15616xf32, #tpu.memory_space<vmem>>) target_semaphore(%arg12 : memref<!tpu.dma_semaphore, #tpu.memory_space<semaphore_mem>>)
    %dma_wait3A_84 = tpu.memref_slice %arg2[%mul3A_56] : memref<4000000xf32, #tpu.memory_space<hbm>> -> memref<15616xf32, #tpu.memory_space<hbm>>
    %dma_wait3A_85 = tpu.memref_slice %arg2[%mul3A_56] : memref<4000000xf32, #tpu.memory_space<hbm>> -> memref<15616xf32, #tpu.memory_space<hbm>>
    tpu.wait_dma2 semaphore(%arg13 : memref<!tpu.dma_semaphore, #tpu.memory_space<semaphore_mem>>) src(%dma_wait3A_85 : memref<15616xf32, #tpu.memory_space<hbm>>) dst(%arg9 : memref<15616xf32, #tpu.memory_space<vmem>>)
    %dma_wait3A_86 = tpu.memref_slice %arg3[%add3A_60] : memref<4000000xf32, #tpu.memory_space<hbm>> -> memref<15616xf32, #tpu.memory_space<hbm>>
    %dma_wait3A_87 = tpu.memref_slice %arg3[%add3A_60] : memref<4000000xf32, #tpu.memory_space<hbm>> -> memref<15616xf32, #tpu.memory_space<hbm>>
    tpu.wait_dma2 semaphore(%arg13 : memref<!tpu.dma_semaphore, #tpu.memory_space<semaphore_mem>>) src(%dma_wait3A_87 : memref<15616xf32, #tpu.memory_space<hbm>>) dst(%arg10 : memref<15616xf32, #tpu.memory_space<vmem>>)
    %dma_wait3A_88 = tpu.memref_slice %arg4[%mul3A_56] : memref<2000000xf32, #tpu.memory_space<hbm>> -> memref<15616xf32, #tpu.memory_space<hbm>>
    %dma_wait3A_89 = tpu.memref_slice %arg4[%mul3A_56] : memref<2000000xf32, #tpu.memory_space<hbm>> -> memref<15616xf32, #tpu.memory_space<hbm>>
    tpu.wait_dma2 semaphore(%arg13 : memref<!tpu.dma_semaphore, #tpu.memory_space<semaphore_mem>>) src(%dma_wait3A_89 : memref<15616xf32, #tpu.memory_space<hbm>>) dst(%arg11 : memref<15616xf32, #tpu.memory_space<vmem>>)
    %parallel_loop3A_90 = arith.constant 0 : i32
    %parallel_loop3A_91 = arith.constant 488 : i32
    %parallel_loop3A_92 = arith.constant 1 : i32
    scf.for %parallel_loop3A_223 = %parallel_loop3A_90 to %parallel_loop3A_91 step %parallel_loop3A_92  : i32 {
      %parallel_loop3A_224 = arith.addi %parallel_loop3A_223, %parallel_loop3A_223 : i32
      %parallel_loop3A_225 = arith.constant 16 : i32
      %parallel_loop3A_226 = arith.muli %parallel_loop3A_224, %parallel_loop3A_225 : i32
      %parallel_loop3A_227 = arith.index_cast %parallel_loop3A_226 : i32 to index
      %parallel_loop3A_228 = tpu.vector_load %arg11[%parallel_loop3A_227] {strides = array<i32>} : memref<15616xf32, #tpu.memory_space<vmem>>, vector<16xf32>,
      %parallel_loop3A_229 = arith.fptosi %parallel_loop3A_228 : vector<16xf32> to vector<16xi32>
      %parallel_loop3A_230 = arith.index_cast %parallel_loop3A_226 : i32 to index
      %parallel_loop3A_231 = tpu.vector_load %arg9[%parallel_loop3A_230] {strides = array<i32>} : memref<15616xf32, #tpu.memory_space<vmem>>, vector<16xf32>,
      %parallel_loop3A_232 = arith.index_cast %parallel_loop3A_226 : i32 to index
      %parallel_loop3A_233 = tpu.vector_load %arg10[%parallel_loop3A_232] {strides = array<i32>} : memref<15616xf32, #tpu.memory_space<vmem>>, vector<16xf32>,
      %parallel_loop3A_234 = arith.addi %parallel_loop3A_229, %parallel_loop3A_229 : vector<16xi32>
      %parallel_loop3A_235 = arith.addi %parallel_loop3A_234, %and3A_7 : vector<16xi32>
      %parallel_loop3A_236 = arith.addi %parallel_loop3A_235, %parallel_loop3A_235 : vector<16xi32>
      tpu.vector_store_idx %arg16[%parallel_loop3A_235], %broadcast_in_dim3A_10 {add = true} : memref<32xf32, #tpu.memory_space<vmem>>[vector<16xi32>], vector<16xf32>,
      tpu.vector_store_idx %arg14[%parallel_loop3A_236], %parallel_loop3A_231 {add = true} : memref<64xf32, #tpu.memory_space<vmem>>[vector<16xi32>], vector<16xf32>,
      %parallel_loop3A_237 = arith.constant 1 : i32
      %parallel_loop3A_238 = vector.broadcast %parallel_loop3A_237 : i32 to vector<16xi32>
      %parallel_loop3A_239 = arith.addi %parallel_loop3A_236, %parallel_loop3A_238 : vector<16xi32>
      tpu.vector_store_idx %arg14[%parallel_loop3A_239], %parallel_loop3A_233 {add = true} : memref<64xf32, #tpu.memory_space<vmem>>[vector<16xi32>], vector<16xf32>,
      %parallel_loop3A_240 = arith.mulf %parallel_loop3A_231, %parallel_loop3A_231 : vector<16xf32>
      %parallel_loop3A_241 = arith.mulf %parallel_loop3A_233, %parallel_loop3A_233 : vector<16xf32>
      %parallel_loop3A_242 = arith.addf %parallel_loop3A_240, %parallel_loop3A_241 : vector<16xf32>
      tpu.vector_store_idx %arg15[%parallel_loop3A_235], %parallel_loop3A_242 {add = true} : memref<32xf32, #tpu.memory_space<vmem>>[vector<16xi32>], vector<16xf32>,
      %parallel_loop3A_243 = arith.constant 1 : i32
      %parallel_loop3A_244 = arith.addi %parallel_loop3A_224, %parallel_loop3A_243 : i32
      %parallel_loop3A_245 = arith.constant 16 : i32
      %parallel_loop3A_246 = arith.muli %parallel_loop3A_244, %parallel_loop3A_245 : i32
      %parallel_loop3A_247 = arith.index_cast %parallel_loop3A_246 : i32 to index
      %parallel_loop3A_248 = tpu.vector_load %arg11[%parallel_loop3A_247] {strides = array<i32>} : memref<15616xf32, #tpu.memory_space<vmem>>, vector<16xf32>,
      %parallel_loop3A_249 = arith.fptosi %parallel_loop3A_248 : vector<16xf32> to vector<16xi32>
      %parallel_loop3A_250 = arith.index_cast %parallel_loop3A_246 : i32 to index
      %parallel_loop3A_251 = tpu.vector_load %arg9[%parallel_loop3A_250] {strides = array<i32>} : memref<15616xf32, #tpu.memory_space<vmem>>, vector<16xf32>,
      %parallel_loop3A_252 = arith.index_cast %parallel_loop3A_246 : i32 to index
      %parallel_loop3A_253 = tpu.vector_load %arg10[%parallel_loop3A_252] {strides = array<i32>} : memref<15616xf32, #tpu.memory_space<vmem>>, vector<16xf32>,
      %parallel_loop3A_254 = arith.addi %parallel_loop3A_249, %parallel_loop3A_249 : vector<16xi32>
      %parallel_loop3A_255 = arith.addi %parallel_loop3A_254, %and3A_7 : vector<16xi32>
      %parallel_loop3A_256 = arith.addi %parallel_loop3A_255, %parallel_loop3A_255 : vector<16xi32>
      tpu.vector_store_idx %arg19[%parallel_loop3A_255], %broadcast_in_dim3A_10 {add = true} : memref<32xf32, #tpu.memory_space<vmem>>[vector<16xi32>], vector<16xf32>,
      tpu.vector_store_idx %arg17[%parallel_loop3A_256], %parallel_loop3A_251 {add = true} : memref<64xf32, #tpu.memory_space<vmem>>[vector<16xi32>], vector<16xf32>,
      %parallel_loop3A_257 = arith.constant 1 : i32
      %parallel_loop3A_258 = vector.broadcast %parallel_loop3A_257 : i32 to vector<16xi32>
      %parallel_loop3A_259 = arith.addi %parallel_loop3A_256, %parallel_loop3A_258 : vector<16xi32>
      tpu.vector_store_idx %arg17[%parallel_loop3A_259], %parallel_loop3A_253 {add = true} : memref<64xf32, #tpu.memory_space<vmem>>[vector<16xi32>], vector<16xf32>,
      %parallel_loop3A_260 = arith.mulf %parallel_loop3A_251, %parallel_loop3A_251 : vector<16xf32>
      %parallel_loop3A_261 = arith.mulf %parallel_loop3A_253, %parallel_loop3A_253 : vector<16xf32>
      %parallel_loop3A_262 = arith.addf %parallel_loop3A_260, %parallel_loop3A_261 : vector<16xf32>
      tpu.vector_store_idx %arg18[%parallel_loop3A_255], %parallel_loop3A_262 {add = true} : memref<32xf32, #tpu.memory_space<vmem>>[vector<16xi32>], vector<16xf32>,
    } {sc.loop_unroll_factor = 4 : i64, sc.parallel_access}
    %add3A_93 = arith.constant 732 : i32
    %add3A_94 = arith.addi %add3A_4, %add3A_93 : i32
    %mul3A_95 = arith.constant 64 : i32
    %mul3A_96 = arith.muli %add3A_94, %mul3A_95 : i32
    %dma_start3A_97 = tpu.memref_slice %arg2[%mul3A_96] : memref<4000000xf32, #tpu.memory_space<hbm>> -> memref<15616xf32, #tpu.memory_space<hbm>>
    %dma_start3A_98 = tpu.memref_slice %arg2[%mul3A_96] : memref<4000000xf32, #tpu.memory_space<hbm>> -> memref<15616xf32, #tpu.memory_space<hbm>>
    tpu.enqueue_dma source(%dma_start3A_98 : memref<15616xf32, #tpu.memory_space<hbm>>) target(%arg9 : memref<15616xf32, #tpu.memory_space<vmem>>) target_semaphore(%arg13 : memref<!tpu.dma_semaphore, #tpu.memory_space<semaphore_mem>>)
    %add3A_99 = arith.constant 2000000 : i32
    %add3A_100 = arith.addi %add3A_99, %mul3A_96 : i32
    %dma_start3A_101 = tpu.memref_slice %arg3[%add3A_100] : memref<4000000xf32, #tpu.memory_space<hbm>> -> memref<15616xf32, #tpu.memory_space<hbm>>
    %dma_start3A_102 = tpu.memref_slice %arg3[%add3A_100] : memref<4000000xf32, #tpu.memory_space<hbm>> -> memref<15616xf32, #tpu.memory_space<hbm>>
    tpu.enqueue_dma source(%dma_start3A_102 : memref<15616xf32, #tpu.memory_space<hbm>>) target(%arg10 : memref<15616xf32, #tpu.memory_space<vmem>>) target_semaphore(%arg13 : memref<!tpu.dma_semaphore, #tpu.memory_space<semaphore_mem>>)
    %dma_start3A_103 = tpu.memref_slice %arg4[%mul3A_96] : memref<2000000xf32, #tpu.memory_space<hbm>> -> memref<15616xf32, #tpu.memory_space<hbm>>
    %dma_start3A_104 = tpu.memref_slice %arg4[%mul3A_96] : memref<2000000xf32, #tpu.memory_space<hbm>> -> memref<15616xf32, #tpu.memory_space<hbm>>
    tpu.enqueue_dma source(%dma_start3A_104 : memref<15616xf32, #tpu.memory_space<hbm>>) target(%arg11 : memref<15616xf32, #tpu.memory_space<vmem>>) target_semaphore(%arg13 : memref<!tpu.dma_semaphore, #tpu.memory_space<semaphore_mem>>)
    %dma_wait3A_105 = tpu.memref_slice %arg2[%mul3A_75] : memref<4000000xf32, #tpu.memory_space<hbm>> -> memref<15616xf32, #tpu.memory_space<hbm>>
    %dma_wait3A_106 = tpu.memref_slice %arg2[%mul3A_75] : memref<4000000xf32, #tpu.memory_space<hbm>> -> memref<15616xf32, #tpu.memory_space<hbm>>
    tpu.wait_dma2 semaphore(%arg12 : memref<!tpu.dma_semaphore, #tpu.memory_space<semaphore_mem>>) src(%dma_wait3A_106 : memref<15616xf32, #tpu.memory_space<hbm>>) dst(%arg6 : memref<15616xf32, #tpu.memory_space<vmem>>)
    %dma_wait3A_107 = tpu.memref_slice %arg3[%add3A_79] : memref<4000000xf32, #tpu.memory_space<hbm>> -> memref<15616xf32, #tpu.memory_space<hbm>>
    %dma_wait3A_108 = tpu.memref_slice %arg3[%add3A_79] : memref<4000000xf32, #tpu.memory_space<hbm>> -> memref<15616xf32, #tpu.memory_space<hbm>>
    tpu.wait_dma2 semaphore(%arg12 : memref<!tpu.dma_semaphore, #tpu.memory_space<semaphore_mem>>) src(%dma_wait3A_108 : memref<15616xf32, #tpu.memory_space<hbm>>) dst(%arg7 : memref<15616xf32, #tpu.memory_space<vmem>>)
    %dma_wait3A_109 = tpu.memref_slice %arg4[%mul3A_75] : memref<2000000xf32, #tpu.memory_space<hbm>> -> memref<15616xf32, #tpu.memory_space<hbm>>
    %dma_wait3A_110 = tpu.memref_slice %arg4[%mul3A_75] : memref<2000000xf32, #tpu.memory_space<hbm>> -> memref<15616xf32, #tpu.memory_space<hbm>>
    tpu.wait_dma2 semaphore(%arg12 : memref<!tpu.dma_semaphore, #tpu.memory_space<semaphore_mem>>) src(%dma_wait3A_110 : memref<15616xf32, #tpu.memory_space<hbm>>) dst(%arg8 : memref<15616xf32, #tpu.memory_space<vmem>>)
    %parallel_loop3A_111 = arith.constant 0 : i32
    %parallel_loop3A_112 = arith.constant 488 : i32
    %parallel_loop3A_113 = arith.constant 1 : i32
    scf.for %parallel_loop3A_223 = %parallel_loop3A_111 to %parallel_loop3A_112 step %parallel_loop3A_113  : i32 {
      %parallel_loop3A_224 = arith.addi %parallel_loop3A_223, %parallel_loop3A_223 : i32
      %parallel_loop3A_225 = arith.constant 16 : i32
      %parallel_loop3A_226 = arith.muli %parallel_loop3A_224, %parallel_loop3A_225 : i32
      %parallel_loop3A_227 = arith.index_cast %parallel_loop3A_226 : i32 to index
      %parallel_loop3A_228 = tpu.vector_load %arg8[%parallel_loop3A_227] {strides = array<i32>} : memref<15616xf32, #tpu.memory_space<vmem>>, vector<16xf32>,
      %parallel_loop3A_229 = arith.fptosi %parallel_loop3A_228 : vector<16xf32> to vector<16xi32>
      %parallel_loop3A_230 = arith.index_cast %parallel_loop3A_226 : i32 to index
      %parallel_loop3A_231 = tpu.vector_load %arg6[%parallel_loop3A_230] {strides = array<i32>} : memref<15616xf32, #tpu.memory_space<vmem>>, vector<16xf32>,
      %parallel_loop3A_232 = arith.index_cast %parallel_loop3A_226 : i32 to index
      %parallel_loop3A_233 = tpu.vector_load %arg7[%parallel_loop3A_232] {strides = array<i32>} : memref<15616xf32, #tpu.memory_space<vmem>>, vector<16xf32>,
      %parallel_loop3A_234 = arith.addi %parallel_loop3A_229, %parallel_loop3A_229 : vector<16xi32>
      %parallel_loop3A_235 = arith.addi %parallel_loop3A_234, %and3A_7 : vector<16xi32>
      %parallel_loop3A_236 = arith.addi %parallel_loop3A_235, %parallel_loop3A_235 : vector<16xi32>
      tpu.vector_store_idx %arg16[%parallel_loop3A_235], %broadcast_in_dim3A_10 {add = true} : memref<32xf32, #tpu.memory_space<vmem>>[vector<16xi32>], vector<16xf32>,
      tpu.vector_store_idx %arg14[%parallel_loop3A_236], %parallel_loop3A_231 {add = true} : memref<64xf32, #tpu.memory_space<vmem>>[vector<16xi32>], vector<16xf32>,
      %parallel_loop3A_237 = arith.constant 1 : i32
      %parallel_loop3A_238 = vector.broadcast %parallel_loop3A_237 : i32 to vector<16xi32>
      %parallel_loop3A_239 = arith.addi %parallel_loop3A_236, %parallel_loop3A_238 : vector<16xi32>
      tpu.vector_store_idx %arg14[%parallel_loop3A_239], %parallel_loop3A_233 {add = true} : memref<64xf32, #tpu.memory_space<vmem>>[vector<16xi32>], vector<16xf32>,
      %parallel_loop3A_240 = arith.mulf %parallel_loop3A_231, %parallel_loop3A_231 : vector<16xf32>
      %parallel_loop3A_241 = arith.mulf %parallel_loop3A_233, %parallel_loop3A_233 : vector<16xf32>
      %parallel_loop3A_242 = arith.addf %parallel_loop3A_240, %parallel_loop3A_241 : vector<16xf32>
      tpu.vector_store_idx %arg15[%parallel_loop3A_235], %parallel_loop3A_242 {add = true} : memref<32xf32, #tpu.memory_space<vmem>>[vector<16xi32>], vector<16xf32>,
      %parallel_loop3A_243 = arith.constant 1 : i32
      %parallel_loop3A_244 = arith.addi %parallel_loop3A_224, %parallel_loop3A_243 : i32
      %parallel_loop3A_245 = arith.constant 16 : i32
      %parallel_loop3A_246 = arith.muli %parallel_loop3A_244, %parallel_loop3A_245 : i32
      %parallel_loop3A_247 = arith.index_cast %parallel_loop3A_246 : i32 to index
      %parallel_loop3A_248 = tpu.vector_load %arg8[%parallel_loop3A_247] {strides = array<i32>} : memref<15616xf32, #tpu.memory_space<vmem>>, vector<16xf32>,
      %parallel_loop3A_249 = arith.fptosi %parallel_loop3A_248 : vector<16xf32> to vector<16xi32>
      %parallel_loop3A_250 = arith.index_cast %parallel_loop3A_246 : i32 to index
      %parallel_loop3A_251 = tpu.vector_load %arg6[%parallel_loop3A_250] {strides = array<i32>} : memref<15616xf32, #tpu.memory_space<vmem>>, vector<16xf32>,
      %parallel_loop3A_252 = arith.index_cast %parallel_loop3A_246 : i32 to index
      %parallel_loop3A_253 = tpu.vector_load %arg7[%parallel_loop3A_252] {strides = array<i32>} : memref<15616xf32, #tpu.memory_space<vmem>>, vector<16xf32>,
      %parallel_loop3A_254 = arith.addi %parallel_loop3A_249, %parallel_loop3A_249 : vector<16xi32>
      %parallel_loop3A_255 = arith.addi %parallel_loop3A_254, %and3A_7 : vector<16xi32>
      %parallel_loop3A_256 = arith.addi %parallel_loop3A_255, %parallel_loop3A_255 : vector<16xi32>
      tpu.vector_store_idx %arg19[%parallel_loop3A_255], %broadcast_in_dim3A_10 {add = true} : memref<32xf32, #tpu.memory_space<vmem>>[vector<16xi32>], vector<16xf32>,
      tpu.vector_store_idx %arg17[%parallel_loop3A_256], %parallel_loop3A_251 {add = true} : memref<64xf32, #tpu.memory_space<vmem>>[vector<16xi32>], vector<16xf32>,
      %parallel_loop3A_257 = arith.constant 1 : i32
      %parallel_loop3A_258 = vector.broadcast %parallel_loop3A_257 : i32 to vector<16xi32>
      %parallel_loop3A_259 = arith.addi %parallel_loop3A_256, %parallel_loop3A_258 : vector<16xi32>
      tpu.vector_store_idx %arg17[%parallel_loop3A_259], %parallel_loop3A_253 {add = true} : memref<64xf32, #tpu.memory_space<vmem>>[vector<16xi32>], vector<16xf32>,
      %parallel_loop3A_260 = arith.mulf %parallel_loop3A_251, %parallel_loop3A_251 : vector<16xf32>
      %parallel_loop3A_261 = arith.mulf %parallel_loop3A_253, %parallel_loop3A_253 : vector<16xf32>
      %parallel_loop3A_262 = arith.addf %parallel_loop3A_260, %parallel_loop3A_261 : vector<16xf32>
      tpu.vector_store_idx %arg18[%parallel_loop3A_255], %parallel_loop3A_262 {add = true} : memref<32xf32, #tpu.memory_space<vmem>>[vector<16xi32>], vector<16xf32>,
    } {sc.loop_unroll_factor = 4 : i64, sc.parallel_access}
    %dma_wait3A_114 = tpu.memref_slice %arg2[%mul3A_96] : memref<4000000xf32, #tpu.memory_space<hbm>> -> memref<15616xf32, #tpu.memory_space<hbm>>
    %dma_wait3A_115 = tpu.memref_slice %arg2[%mul3A_96] : memref<4000000xf32, #tpu.memory_space<hbm>> -> memref<15616xf32, #tpu.memory_space<hbm>>
    tpu.wait_dma2 semaphore(%arg13 : memref<!tpu.dma_semaphore, #tpu.memory_space<semaphore_mem>>) src(%dma_wait3A_115 : memref<15616xf32, #tpu.memory_space<hbm>>) dst(%arg9 : memref<15616xf32, #tpu.memory_space<vmem>>)
    %dma_wait3A_116 = tpu.memref_slice %arg3[%add3A_100] : memref<4000000xf32, #tpu.memory_space<hbm>> -> memref<15616xf32, #tpu.memory_space<hbm>>
    %dma_wait3A_117 = tpu.memref_slice %arg3[%add3A_100] : memref<4000000xf32, #tpu.memory_space<hbm>> -> memref<15616xf32, #tpu.memory_space<hbm>>
    tpu.wait_dma2 semaphore(%arg13 : memref<!tpu.dma_semaphore, #tpu.memory_space<semaphore_mem>>) src(%dma_wait3A_117 : memref<15616xf32, #tpu.memory_space<hbm>>) dst(%arg10 : memref<15616xf32, #tpu.memory_space<vmem>>)
    %dma_wait3A_118 = tpu.memref_slice %arg4[%mul3A_96] : memref<2000000xf32, #tpu.memory_space<hbm>> -> memref<15616xf32, #tpu.memory_space<hbm>>
    %dma_wait3A_119 = tpu.memref_slice %arg4[%mul3A_96] : memref<2000000xf32, #tpu.memory_space<hbm>> -> memref<15616xf32, #tpu.memory_space<hbm>>
    tpu.wait_dma2 semaphore(%arg13 : memref<!tpu.dma_semaphore, #tpu.memory_space<semaphore_mem>>) src(%dma_wait3A_119 : memref<15616xf32, #tpu.memory_space<hbm>>) dst(%arg11 : memref<15616xf32, #tpu.memory_space<vmem>>)
    %parallel_loop3A_120 = arith.constant 0 : i32
    %parallel_loop3A_121 = arith.constant 488 : i32
    %parallel_loop3A_122 = arith.constant 1 : i32
    scf.for %parallel_loop3A_223 = %parallel_loop3A_120 to %parallel_loop3A_121 step %parallel_loop3A_122  : i32 {
      %parallel_loop3A_224 = arith.addi %parallel_loop3A_223, %parallel_loop3A_223 : i32
      %parallel_loop3A_225 = arith.constant 16 : i32
      %parallel_loop3A_226 = arith.muli %parallel_loop3A_224, %parallel_loop3A_225 : i32
      %parallel_loop3A_227 = arith.index_cast %parallel_loop3A_226 : i32 to index
      %parallel_loop3A_228 = tpu.vector_load %arg11[%parallel_loop3A_227] {strides = array<i32>} : memref<15616xf32, #tpu.memory_space<vmem>>, vector<16xf32>,
      %parallel_loop3A_229 = arith.fptosi %parallel_loop3A_228 : vector<16xf32> to vector<16xi32>
      %parallel_loop3A_230 = arith.index_cast %parallel_loop3A_226 : i32 to index
      %parallel_loop3A_231 = tpu.vector_load %arg9[%parallel_loop3A_230] {strides = array<i32>} : memref<15616xf32, #tpu.memory_space<vmem>>, vector<16xf32>,
      %parallel_loop3A_232 = arith.index_cast %parallel_loop3A_226 : i32 to index
      %parallel_loop3A_233 = tpu.vector_load %arg10[%parallel_loop3A_232] {strides = array<i32>} : memref<15616xf32, #tpu.memory_space<vmem>>, vector<16xf32>,
      %parallel_loop3A_234 = arith.addi %parallel_loop3A_229, %parallel_loop3A_229 : vector<16xi32>
      %parallel_loop3A_235 = arith.addi %parallel_loop3A_234, %and3A_7 : vector<16xi32>
      %parallel_loop3A_236 = arith.addi %parallel_loop3A_235, %parallel_loop3A_235 : vector<16xi32>
      tpu.vector_store_idx %arg16[%parallel_loop3A_235], %broadcast_in_dim3A_10 {add = true} : memref<32xf32, #tpu.memory_space<vmem>>[vector<16xi32>], vector<16xf32>,
      tpu.vector_store_idx %arg14[%parallel_loop3A_236], %parallel_loop3A_231 {add = true} : memref<64xf32, #tpu.memory_space<vmem>>[vector<16xi32>], vector<16xf32>,
      %parallel_loop3A_237 = arith.constant 1 : i32
      %parallel_loop3A_238 = vector.broadcast %parallel_loop3A_237 : i32 to vector<16xi32>
      %parallel_loop3A_239 = arith.addi %parallel_loop3A_236, %parallel_loop3A_238 : vector<16xi32>
      tpu.vector_store_idx %arg14[%parallel_loop3A_239], %parallel_loop3A_233 {add = true} : memref<64xf32, #tpu.memory_space<vmem>>[vector<16xi32>], vector<16xf32>,
      %parallel_loop3A_240 = arith.mulf %parallel_loop3A_231, %parallel_loop3A_231 : vector<16xf32>
      %parallel_loop3A_241 = arith.mulf %parallel_loop3A_233, %parallel_loop3A_233 : vector<16xf32>
      %parallel_loop3A_242 = arith.addf %parallel_loop3A_240, %parallel_loop3A_241 : vector<16xf32>
      tpu.vector_store_idx %arg15[%parallel_loop3A_235], %parallel_loop3A_242 {add = true} : memref<32xf32, #tpu.memory_space<vmem>>[vector<16xi32>], vector<16xf32>,
      %parallel_loop3A_243 = arith.constant 1 : i32
      %parallel_loop3A_244 = arith.addi %parallel_loop3A_224, %parallel_loop3A_243 : i32
      %parallel_loop3A_245 = arith.constant 16 : i32
      %parallel_loop3A_246 = arith.muli %parallel_loop3A_244, %parallel_loop3A_245 : i32
      %parallel_loop3A_247 = arith.index_cast %parallel_loop3A_246 : i32 to index
      %parallel_loop3A_248 = tpu.vector_load %arg11[%parallel_loop3A_247] {strides = array<i32>} : memref<15616xf32, #tpu.memory_space<vmem>>, vector<16xf32>,
      %parallel_loop3A_249 = arith.fptosi %parallel_loop3A_248 : vector<16xf32> to vector<16xi32>
      %parallel_loop3A_250 = arith.index_cast %parallel_loop3A_246 : i32 to index
      %parallel_loop3A_251 = tpu.vector_load %arg9[%parallel_loop3A_250] {strides = array<i32>} : memref<15616xf32, #tpu.memory_space<vmem>>, vector<16xf32>,
      %parallel_loop3A_252 = arith.index_cast %parallel_loop3A_246 : i32 to index
      %parallel_loop3A_253 = tpu.vector_load %arg10[%parallel_loop3A_252] {strides = array<i32>} : memref<15616xf32, #tpu.memory_space<vmem>>, vector<16xf32>,
      %parallel_loop3A_254 = arith.addi %parallel_loop3A_249, %parallel_loop3A_249 : vector<16xi32>
      %parallel_loop3A_255 = arith.addi %parallel_loop3A_254, %and3A_7 : vector<16xi32>
      %parallel_loop3A_256 = arith.addi %parallel_loop3A_255, %parallel_loop3A_255 : vector<16xi32>
      tpu.vector_store_idx %arg19[%parallel_loop3A_255], %broadcast_in_dim3A_10 {add = true} : memref<32xf32, #tpu.memory_space<vmem>>[vector<16xi32>], vector<16xf32>,
      tpu.vector_store_idx %arg17[%parallel_loop3A_256], %parallel_loop3A_251 {add = true} : memref<64xf32, #tpu.memory_space<vmem>>[vector<16xi32>], vector<16xf32>,
      %parallel_loop3A_257 = arith.constant 1 : i32
      %parallel_loop3A_258 = vector.broadcast %parallel_loop3A_257 : i32 to vector<16xi32>
      %parallel_loop3A_259 = arith.addi %parallel_loop3A_256, %parallel_loop3A_258 : vector<16xi32>
      tpu.vector_store_idx %arg17[%parallel_loop3A_259], %parallel_loop3A_253 {add = true} : memref<64xf32, #tpu.memory_space<vmem>>[vector<16xi32>], vector<16xf32>,
      %parallel_loop3A_260 = arith.mulf %parallel_loop3A_251, %parallel_loop3A_251 : vector<16xf32>
      %parallel_loop3A_261 = arith.mulf %parallel_loop3A_253, %parallel_loop3A_253 : vector<16xf32>
      %parallel_loop3A_262 = arith.addf %parallel_loop3A_260, %parallel_loop3A_261 : vector<16xf32>
      tpu.vector_store_idx %arg18[%parallel_loop3A_255], %parallel_loop3A_262 {add = true} : memref<32xf32, #tpu.memory_space<vmem>>[vector<16xi32>], vector<16xf32>,
    } {sc.loop_unroll_factor = 4 : i64, sc.parallel_access}
    %lt3A = arith.constant 18 : i32
    %lt3A_123 = arith.cmpi slt, %add3A, %lt3A : i32
    %convert_element_type3A = arith.extui %lt3A_123 : i1 to i32
    %cond3A = arith.constant 0 : i32
    %cond3A_124 = arith.cmpi ne, %convert_element_type3A, %cond3A : i32
    scf.if %cond3A_124 {
      %add3A_223 = arith.constant 976 : i32
      %add3A_224 = arith.addi %add3A_4, %add3A_223 : i32
      %mul3A_225 = arith.constant 64 : i32
      %mul3A_226 = arith.muli %add3A_224, %mul3A_225 : i32
      "tpu.region"() ({
        %run_scoped3A = tpu.sem_alloc : memref<!tpu.dma_semaphore, #tpu.memory_space<semaphore_mem>>
        %dma_start3A_233 = arith.constant 0 : i32
        %dma_start3A_234 = tpu.memref_slice %arg6[%dma_start3A_233] : memref<15616xf32, #tpu.memory_space<vmem>> -> memref<64xf32, #tpu.memory_space<vmem>>
        %dma_start3A_235 = tpu.memref_slice %arg2[%mul3A_226] : memref<4000000xf32, #tpu.memory_space<hbm>> -> memref<64xf32, #tpu.memory_space<hbm>>
        %dma_start3A_236 = arith.constant 0 : i32
        %dma_start3A_237 = tpu.memref_slice %arg6[%dma_start3A_236] : memref<15616xf32, #tpu.memory_space<vmem>> -> memref<64xf32, #tpu.memory_space<vmem>>
        %dma_start3A_238 = tpu.memref_slice %arg2[%mul3A_226] : memref<4000000xf32, #tpu.memory_space<hbm>> -> memref<64xf32, #tpu.memory_space<hbm>>
        tpu.enqueue_dma source(%dma_start3A_238 : memref<64xf32, #tpu.memory_space<hbm>>) target(%dma_start3A_237 : memref<64xf32, #tpu.memory_space<vmem>>) target_semaphore(%run_scoped3A : memref<!tpu.dma_semaphore, #tpu.memory_space<semaphore_mem>>)
        %dma_wait3A_239 = arith.constant 0 : i32
        %dma_wait3A_240 = tpu.memref_slice %arg6[%dma_wait3A_239] : memref<15616xf32, #tpu.memory_space<vmem>> -> memref<64xf32, #tpu.memory_space<vmem>>
        %dma_wait3A_241 = tpu.memref_slice %arg2[%mul3A_226] : memref<4000000xf32, #tpu.memory_space<hbm>> -> memref<64xf32, #tpu.memory_space<hbm>>
        %dma_wait3A_242 = arith.constant 0 : i32
        %dma_wait3A_243 = tpu.memref_slice %arg6[%dma_wait3A_242] : memref<15616xf32, #tpu.memory_space<vmem>> -> memref<64xf32, #tpu.memory_space<vmem>>
        %dma_wait3A_244 = tpu.memref_slice %arg2[%mul3A_226] : memref<4000000xf32, #tpu.memory_space<hbm>> -> memref<64xf32, #tpu.memory_space<hbm>>
        tpu.wait_dma2 semaphore(%run_scoped3A : memref<!tpu.dma_semaphore, #tpu.memory_space<semaphore_mem>>) src(%dma_wait3A_244 : memref<64xf32, #tpu.memory_space<hbm>>) dst(%dma_wait3A_243 : memref<64xf32, #tpu.memory_space<vmem>>)
        tpu.yield
      }) : () -> ()
      %add3A_227 = arith.constant 2000000 : i32
      %add3A_228 = arith.addi %add3A_227, %mul3A_226 : i32
      "tpu.region"() ({
        %run_scoped3A = tpu.sem_alloc : memref<!tpu.dma_semaphore, #tpu.memory_space<semaphore_mem>>
        %dma_start3A_233 = arith.constant 0 : i32
        %dma_start3A_234 = tpu.memref_slice %arg7[%dma_start3A_233] : memref<15616xf32, #tpu.memory_space<vmem>> -> memref<64xf32, #tpu.memory_space<vmem>>
        %dma_start3A_235 = tpu.memref_slice %arg3[%add3A_228] : memref<4000000xf32, #tpu.memory_space<hbm>> -> memref<64xf32, #tpu.memory_space<hbm>>
        %dma_start3A_236 = arith.constant 0 : i32
        %dma_start3A_237 = tpu.memref_slice %arg7[%dma_start3A_236] : memref<15616xf32, #tpu.memory_space<vmem>> -> memref<64xf32, #tpu.memory_space<vmem>>
        %dma_start3A_238 = tpu.memref_slice %arg3[%add3A_228] : memref<4000000xf32, #tpu.memory_space<hbm>> -> memref<64xf32, #tpu.memory_space<hbm>>
        tpu.enqueue_dma source(%dma_start3A_238 : memref<64xf32, #tpu.memory_space<hbm>>) target(%dma_start3A_237 : memref<64xf32, #tpu.memory_space<vmem>>) target_semaphore(%run_scoped3A : memref<!tpu.dma_semaphore, #tpu.memory_space<semaphore_mem>>)
        %dma_wait3A_239 = arith.constant 0 : i32
        %dma_wait3A_240 = tpu.memref_slice %arg7[%dma_wait3A_239] : memref<15616xf32, #tpu.memory_space<vmem>> -> memref<64xf32, #tpu.memory_space<vmem>>
        %dma_wait3A_241 = tpu.memref_slice %arg3[%add3A_228] : memref<4000000xf32, #tpu.memory_space<hbm>> -> memref<64xf32, #tpu.memory_space<hbm>>
        %dma_wait3A_242 = arith.constant 0 : i32
        %dma_wait3A_243 = tpu.memref_slice %arg7[%dma_wait3A_242] : memref<15616xf32, #tpu.memory_space<vmem>> -> memref<64xf32, #tpu.memory_space<vmem>>
        %dma_wait3A_244 = tpu.memref_slice %arg3[%add3A_228] : memref<4000000xf32, #tpu.memory_space<hbm>> -> memref<64xf32, #tpu.memory_space<hbm>>
        tpu.wait_dma2 semaphore(%run_scoped3A : memref<!tpu.dma_semaphore, #tpu.memory_space<semaphore_mem>>) src(%dma_wait3A_244 : memref<64xf32, #tpu.memory_space<hbm>>) dst(%dma_wait3A_243 : memref<64xf32, #tpu.memory_space<vmem>>)
        tpu.yield
      }) : () -> ()
      "tpu.region"() ({
        %run_scoped3A = tpu.sem_alloc : memref<!tpu.dma_semaphore, #tpu.memory_space<semaphore_mem>>
        %dma_start3A_233 = arith.constant 0 : i32
        %dma_start3A_234 = tpu.memref_slice %arg8[%dma_start3A_233] : memref<15616xf32, #tpu.memory_space<vmem>> -> memref<64xf32, #tpu.memory_space<vmem>>
        %dma_start3A_235 = tpu.memref_slice %arg4[%mul3A_226] : memref<2000000xf32, #tpu.memory_space<hbm>> -> memref<64xf32, #tpu.memory_space<hbm>>
        %dma_start3A_236 = arith.constant 0 : i32
        %dma_start3A_237 = tpu.memref_slice %arg8[%dma_start3A_236] : memref<15616xf32, #tpu.memory_space<vmem>> -> memref<64xf32, #tpu.memory_space<vmem>>
        %dma_start3A_238 = tpu.memref_slice %arg4[%mul3A_226] : memref<2000000xf32, #tpu.memory_space<hbm>> -> memref<64xf32, #tpu.memory_space<hbm>>
        tpu.enqueue_dma source(%dma_start3A_238 : memref<64xf32, #tpu.memory_space<hbm>>) target(%dma_start3A_237 : memref<64xf32, #tpu.memory_space<vmem>>) target_semaphore(%run_scoped3A : memref<!tpu.dma_semaphore, #tpu.memory_space<semaphore_mem>>)
        %dma_wait3A_239 = arith.constant 0 : i32
        %dma_wait3A_240 = tpu.memref_slice %arg8[%dma_wait3A_239] : memref<15616xf32, #tpu.memory_space<vmem>> -> memref<64xf32, #tpu.memory_space<vmem>>
        %dma_wait3A_241 = tpu.memref_slice %arg4[%mul3A_226] : memref<2000000xf32, #tpu.memory_space<hbm>> -> memref<64xf32, #tpu.memory_space<hbm>>
        %dma_wait3A_242 = arith.constant 0 : i32
        %dma_wait3A_243 = tpu.memref_slice %arg8[%dma_wait3A_242] : memref<15616xf32, #tpu.memory_space<vmem>> -> memref<64xf32, #tpu.memory_space<vmem>>
        %dma_wait3A_244 = tpu.memref_slice %arg4[%mul3A_226] : memref<2000000xf32, #tpu.memory_space<hbm>> -> memref<64xf32, #tpu.memory_space<hbm>>
        tpu.wait_dma2 semaphore(%run_scoped3A : memref<!tpu.dma_semaphore, #tpu.memory_space<semaphore_mem>>) src(%dma_wait3A_244 : memref<64xf32, #tpu.memory_space<hbm>>) dst(%dma_wait3A_243 : memref<64xf32, #tpu.memory_space<vmem>>)
        tpu.yield
      }) : () -> ()
      %scan3A = arith.constant 0 : i32
      %scan3A_229 = arith.constant 4 : i32
      %scan3A_230 = arith.addi %scan3A, %scan3A_229 : i32
      %scan3A_231 = arith.constant 2 : i32
      scf.for %scan3A_233 = %scan3A to %scan3A_230 step %scan3A_231  : i32 {
        %mul3A_234 = arith.constant 16 : i32
        %mul3A_235 = arith.muli %scan3A_233, %mul3A_234 : i32
        %get3A_236 = arith.index_cast %mul3A_235 : i32 to index
        %get3A_237 = tpu.vector_load %arg8[%get3A_236] {strides = array<i32>} : memref<15616xf32, #tpu.memory_space<vmem>>, vector<16xf32>,
        %convert_element_type3A_238 = arith.fptosi %get3A_237 : vector<16xf32> to vector<16xi32>
        %get3A_239 = arith.index_cast %mul3A_235 : i32 to index
        %get3A_240 = tpu.vector_load %arg6[%get3A_239] {strides = array<i32>} : memref<15616xf32, #tpu.memory_space<vmem>>, vector<16xf32>,
        %get3A_241 = arith.index_cast %mul3A_235 : i32 to index
        %get3A_242 = tpu.vector_load %arg7[%get3A_241] {strides = array<i32>} : memref<15616xf32, #tpu.memory_space<vmem>>, vector<16xf32>,
        %add3A_243 = arith.addi %convert_element_type3A_238, %convert_element_type3A_238 : vector<16xi32>
        %add3A_244 = arith.addi %add3A_243, %and3A_7 : vector<16xi32>
        %add3A_245 = arith.addi %add3A_244, %add3A_244 : vector<16xi32>
        tpu.vector_store_idx %arg16[%add3A_244], %broadcast_in_dim3A_10 {add = true} : memref<32xf32, #tpu.memory_space<vmem>>[vector<16xi32>], vector<16xf32>,
        tpu.vector_store_idx %arg14[%add3A_245], %get3A_240 {add = true} : memref<64xf32, #tpu.memory_space<vmem>>[vector<16xi32>], vector<16xf32>,
        %add3A_246 = arith.constant 1 : i32
        %add3A_247 = vector.broadcast %add3A_246 : i32 to vector<16xi32>
        %add3A_248 = arith.addi %add3A_245, %add3A_247 : vector<16xi32>
        tpu.vector_store_idx %arg14[%add3A_248], %get3A_242 {add = true} : memref<64xf32, #tpu.memory_space<vmem>>[vector<16xi32>], vector<16xf32>,
        %mul3A_249 = arith.mulf %get3A_240, %get3A_240 : vector<16xf32>
        %mul3A_250 = arith.mulf %get3A_242, %get3A_242 : vector<16xf32>
        %add3A_251 = arith.addf %mul3A_249, %mul3A_250 : vector<16xf32>
        tpu.vector_store_idx %arg15[%add3A_244], %add3A_251 {add = true} : memref<32xf32, #tpu.memory_space<vmem>>[vector<16xi32>], vector<16xf32>,
        %scan3A_252 = arith.constant 1 : i32
        %scan3A_253 = arith.addi %scan3A_233, %scan3A_252 : i32
        %mul3A_254 = arith.constant 16 : i32
        %mul3A_255 = arith.muli %scan3A_253, %mul3A_254 : i32
        %get3A_256 = arith.index_cast %mul3A_255 : i32 to index
        %get3A_257 = tpu.vector_load %arg8[%get3A_256] {strides = array<i32>} : memref<15616xf32, #tpu.memory_space<vmem>>, vector<16xf32>,
        %convert_element_type3A_258 = arith.fptosi %get3A_257 : vector<16xf32> to vector<16xi32>
        %get3A_259 = arith.index_cast %mul3A_255 : i32 to index
        %get3A_260 = tpu.vector_load %arg6[%get3A_259] {strides = array<i32>} : memref<15616xf32, #tpu.memory_space<vmem>>, vector<16xf32>,
        %get3A_261 = arith.index_cast %mul3A_255 : i32 to index
        %get3A_262 = tpu.vector_load %arg7[%get3A_261] {strides = array<i32>} : memref<15616xf32, #tpu.memory_space<vmem>>, vector<16xf32>,
        %add3A_263 = arith.addi %convert_element_type3A_258, %convert_element_type3A_258 : vector<16xi32>
        %add3A_264 = arith.addi %add3A_263, %and3A_7 : vector<16xi32>
        %add3A_265 = arith.addi %add3A_264, %add3A_264 : vector<16xi32>
        tpu.vector_store_idx %arg16[%add3A_264], %broadcast_in_dim3A_10 {add = true} : memref<32xf32, #tpu.memory_space<vmem>>[vector<16xi32>], vector<16xf32>,
        tpu.vector_store_idx %arg14[%add3A_265], %get3A_260 {add = true} : memref<64xf32, #tpu.memory_space<vmem>>[vector<16xi32>], vector<16xf32>,
        %add3A_266 = arith.constant 1 : i32
        %add3A_267 = vector.broadcast %add3A_266 : i32 to vector<16xi32>
        %add3A_268 = arith.addi %add3A_265, %add3A_267 : vector<16xi32>
        tpu.vector_store_idx %arg14[%add3A_268], %get3A_262 {add = true} : memref<64xf32, #tpu.memory_space<vmem>>[vector<16xi32>], vector<16xf32>,
        %mul3A_269 = arith.mulf %get3A_260, %get3A_260 : vector<16xf32>
        %mul3A_270 = arith.mulf %get3A_262, %get3A_262 : vector<16xf32>
        %add3A_271 = arith.addf %mul3A_269, %mul3A_270 : vector<16xf32>
        tpu.vector_store_idx %arg15[%add3A_264], %add3A_271 {add = true} : memref<32xf32, #tpu.memory_space<vmem>>[vector<16xi32>], vector<16xf32>,
      }
      %scan3A_232 = arith.constant 4 : i32
    } else {
    }
    %get3A = arith.constant 0 : index
    %get3A_125 = tpu.vector_load %arg14[%get3A] {strides = array<i32>} : memref<64xf32, #tpu.memory_space<vmem>>, vector<16xf32>,
    %get3A_126 = arith.constant 0 : index
    %get3A_127 = tpu.vector_load %arg17[%get3A_126] {strides = array<i32>} : memref<64xf32, #tpu.memory_space<vmem>>, vector<16xf32>,
    %add3A_128 = arith.addf %get3A_125, %get3A_127 : vector<16xf32>
    %swap3A_129 = arith.constant 0 : index
    %swap3A_130 = tpu.vector_load %arg14[%swap3A_129] {strides = array<i32>} : memref<64xf32, #tpu.memory_space<vmem>>, vector<16xf32>,
    tpu.vector_store %arg14[%swap3A_129], %add3A_128 {strides = array<i32>} : memref<64xf32, #tpu.memory_space<vmem>>, vector<16xf32>,
    %get3A_131 = arith.constant 16 : index
    %get3A_132 = tpu.vector_load %arg14[%get3A_131] {strides = array<i32>} : memref<64xf32, #tpu.memory_space<vmem>>, vector<16xf32>,
    %get3A_133 = arith.constant 16 : index
    %get3A_134 = tpu.vector_load %arg17[%get3A_133] {strides = array<i32>} : memref<64xf32, #tpu.memory_space<vmem>>, vector<16xf32>,
    %add3A_135 = arith.addf %get3A_132, %get3A_134 : vector<16xf32>
    %swap3A_136 = arith.constant 16 : index
    %swap3A_137 = tpu.vector_load %arg14[%swap3A_136] {strides = array<i32>} : memref<64xf32, #tpu.memory_space<vmem>>, vector<16xf32>,
    tpu.vector_store %arg14[%swap3A_136], %add3A_135 {strides = array<i32>} : memref<64xf32, #tpu.memory_space<vmem>>, vector<16xf32>,
    %get3A_138 = arith.constant 32 : index
    %get3A_139 = tpu.vector_load %arg14[%get3A_138] {strides = array<i32>} : memref<64xf32, #tpu.memory_space<vmem>>, vector<16xf32>,
    %get3A_140 = arith.constant 32 : index
    %get3A_141 = tpu.vector_load %arg17[%get3A_140] {strides = array<i32>} : memref<64xf32, #tpu.memory_space<vmem>>, vector<16xf32>,
    %add3A_142 = arith.addf %get3A_139, %get3A_141 : vector<16xf32>
    %swap3A_143 = arith.constant 32 : index
    %swap3A_144 = tpu.vector_load %arg14[%swap3A_143] {strides = array<i32>} : memref<64xf32, #tpu.memory_space<vmem>>, vector<16xf32>,
    tpu.vector_store %arg14[%swap3A_143], %add3A_142 {strides = array<i32>} : memref<64xf32, #tpu.memory_space<vmem>>, vector<16xf32>,
    %get3A_145 = arith.constant 48 : index
    %get3A_146 = tpu.vector_load %arg14[%get3A_145] {strides = array<i32>} : memref<64xf32, #tpu.memory_space<vmem>>, vector<16xf32>,
    %get3A_147 = arith.constant 48 : index
    %get3A_148 = tpu.vector_load %arg17[%get3A_147] {strides = array<i32>} : memref<64xf32, #tpu.memory_space<vmem>>, vector<16xf32>,
    %add3A_149 = arith.addf %get3A_146, %get3A_148 : vector<16xf32>
    %swap3A_150 = arith.constant 48 : index
    %swap3A_151 = tpu.vector_load %arg14[%swap3A_150] {strides = array<i32>} : memref<64xf32, #tpu.memory_space<vmem>>, vector<16xf32>,
    tpu.vector_store %arg14[%swap3A_150], %add3A_149 {strides = array<i32>} : memref<64xf32, #tpu.memory_space<vmem>>, vector<16xf32>,
    %get3A_152 = arith.constant 0 : index
    %get3A_153 = tpu.vector_load %arg15[%get3A_152] {strides = array<i32>} : memref<32xf32, #tpu.memory_space<vmem>>, vector<16xf32>,
    %get3A_154 = arith.constant 0 : index
    %get3A_155 = tpu.vector_load %arg18[%get3A_154] {strides = array<i32>} : memref<32xf32, #tpu.memory_space<vmem>>, vector<16xf32>,
    %add3A_156 = arith.addf %get3A_153, %get3A_155 : vector<16xf32>
    %swap3A_157 = arith.constant 0 : index
    %swap3A_158 = tpu.vector_load %arg15[%swap3A_157] {strides = array<i32>} : memref<32xf32, #tpu.memory_space<vmem>>, vector<16xf32>,
    tpu.vector_store %arg15[%swap3A_157], %add3A_156 {strides = array<i32>} : memref<32xf32, #tpu.memory_space<vmem>>, vector<16xf32>,
    %get3A_159 = arith.constant 0 : index
    %get3A_160 = tpu.vector_load %arg16[%get3A_159] {strides = array<i32>} : memref<32xf32, #tpu.memory_space<vmem>>, vector<16xf32>,
    %get3A_161 = arith.constant 0 : index
    %get3A_162 = tpu.vector_load %arg19[%get3A_161] {strides = array<i32>} : memref<32xf32, #tpu.memory_space<vmem>>, vector<16xf32>,
    %add3A_163 = arith.addf %get3A_160, %get3A_162 : vector<16xf32>
    %swap3A_164 = arith.constant 0 : index
    %swap3A_165 = tpu.vector_load %arg16[%swap3A_164] {strides = array<i32>} : memref<32xf32, #tpu.memory_space<vmem>>, vector<16xf32>,
    tpu.vector_store %arg16[%swap3A_164], %add3A_163 {strides = array<i32>} : memref<32xf32, #tpu.memory_space<vmem>>, vector<16xf32>,
    %get3A_166 = arith.constant 16 : index
    %get3A_167 = tpu.vector_load %arg15[%get3A_166] {strides = array<i32>} : memref<32xf32, #tpu.memory_space<vmem>>, vector<16xf32>,
    %get3A_168 = arith.constant 16 : index
    %get3A_169 = tpu.vector_load %arg18[%get3A_168] {strides = array<i32>} : memref<32xf32, #tpu.memory_space<vmem>>, vector<16xf32>,
    %add3A_170 = arith.addf %get3A_167, %get3A_169 : vector<16xf32>
    %swap3A_171 = arith.constant 16 : index
    %swap3A_172 = tpu.vector_load %arg15[%swap3A_171] {strides = array<i32>} : memref<32xf32, #tpu.memory_space<vmem>>, vector<16xf32>,
    tpu.vector_store %arg15[%swap3A_171], %add3A_170 {strides = array<i32>} : memref<32xf32, #tpu.memory_space<vmem>>, vector<16xf32>,
    %get3A_173 = arith.constant 16 : index
    %get3A_174 = tpu.vector_load %arg16[%get3A_173] {strides = array<i32>} : memref<32xf32, #tpu.memory_space<vmem>>, vector<16xf32>,
    %get3A_175 = arith.constant 16 : index
    %get3A_176 = tpu.vector_load %arg19[%get3A_175] {strides = array<i32>} : memref<32xf32, #tpu.memory_space<vmem>>, vector<16xf32>,
    %add3A_177 = arith.addf %get3A_174, %get3A_176 : vector<16xf32>
    %swap3A_178 = arith.constant 16 : index
    %swap3A_179 = tpu.vector_load %arg16[%swap3A_178] {strides = array<i32>} : memref<32xf32, #tpu.memory_space<vmem>>, vector<16xf32>,
    tpu.vector_store %arg16[%swap3A_178], %add3A_177 {strides = array<i32>} : memref<32xf32, #tpu.memory_space<vmem>>, vector<16xf32>,
    %add3A_180 = arith.addi %add3A_5, %add3A_5 : vector<16xi32>
    %gather3A = tpu.vector_load_idx %arg14[%add3A_180] : memref<64xf32, #tpu.memory_space<vmem>>[vector<16xi32>], vector<16xf32>,
    %add3A_181 = arith.constant 1 : i32
    %add3A_182 = vector.broadcast %add3A_181 : i32 to vector<16xi32>
    %add3A_183 = arith.addi %add3A_180, %add3A_182 : vector<16xi32>
    %gather3A_184 = tpu.vector_load_idx %arg14[%add3A_183] : memref<64xf32, #tpu.memory_space<vmem>>[vector<16xi32>], vector<16xf32>,
    %add3A_185 = arith.addf %gather3A, %gather3A_184 : vector<16xf32>
    %swap3A_186 = arith.constant 0 : i32
    %swap3A_187 = arith.index_cast %swap3A_186 : i32 to index
    %swap3A_188 = arith.constant 0 : index
    %swap3A_189 = tpu.vector_load %arg20[%swap3A_187, %swap3A_188] {strides = array<i32>} : memref<4x16xf32, #tpu.memory_space<vmem>>, vector<16xf32>,
    tpu.vector_store %arg20[%swap3A_187, %swap3A_188], %add3A_185 {strides = array<i32>} : memref<4x16xf32, #tpu.memory_space<vmem>>, vector<16xf32>,
    %add3A_190 = arith.constant 2 : i32
    %add3A_191 = vector.broadcast %add3A_190 : i32 to vector<16xi32>
    %add3A_192 = arith.addi %add3A_180, %add3A_191 : vector<16xi32>
    %gather3A_193 = tpu.vector_load_idx %arg14[%add3A_192] : memref<64xf32, #tpu.memory_space<vmem>>[vector<16xi32>], vector<16xf32>,
    %add3A_194 = arith.constant 3 : i32
    %add3A_195 = vector.broadcast %add3A_194 : i32 to vector<16xi32>
    %add3A_196 = arith.addi %add3A_180, %add3A_195 : vector<16xi32>
    %gather3A_197 = tpu.vector_load_idx %arg14[%add3A_196] : memref<64xf32, #tpu.memory_space<vmem>>[vector<16xi32>], vector<16xf32>,
    %add3A_198 = arith.addf %gather3A_193, %gather3A_197 : vector<16xf32>
    %swap3A_199 = arith.constant 1 : i32
    %swap3A_200 = arith.index_cast %swap3A_199 : i32 to index
    %swap3A_201 = arith.constant 0 : index
    %swap3A_202 = tpu.vector_load %arg20[%swap3A_200, %swap3A_201] {strides = array<i32>} : memref<4x16xf32, #tpu.memory_space<vmem>>, vector<16xf32>,
    tpu.vector_store %arg20[%swap3A_200, %swap3A_201], %add3A_198 {strides = array<i32>} : memref<4x16xf32, #tpu.memory_space<vmem>>, vector<16xf32>,
    %gather3A_203 = tpu.vector_load_idx %arg15[%add3A_5] : memref<32xf32, #tpu.memory_space<vmem>>[vector<16xi32>], vector<16xf32>,
    %add3A_204 = arith.constant 1 : i32
    %add3A_205 = vector.broadcast %add3A_204 : i32 to vector<16xi32>
    %add3A_206 = arith.addi %add3A_5, %add3A_205 : vector<16xi32>
    %gather3A_207 = tpu.vector_load_idx %arg15[%add3A_206] : memref<32xf32, #tpu.memory_space<vmem>>[vector<16xi32>], vector<16xf32>,
    %add3A_208 = arith.addf %gather3A_203, %gather3A_207 : vector<16xf32>
    %swap3A_209 = arith.constant 2 : i32
    %swap3A_210 = arith.index_cast %swap3A_209 : i32 to index
    %swap3A_211 = arith.constant 0 : index
    %swap3A_212 = tpu.vector_load %arg20[%swap3A_210, %swap3A_211] {strides = array<i32>} : memref<4x16xf32, #tpu.memory_space<vmem>>, vector<16xf32>,
    tpu.vector_store %arg20[%swap3A_210, %swap3A_211], %add3A_208 {strides = array<i32>} : memref<4x16xf32, #tpu.memory_space<vmem>>, vector<16xf32>,
    %gather3A_213 = tpu.vector_load_idx %arg16[%add3A_5] : memref<32xf32, #tpu.memory_space<vmem>>[vector<16xi32>], vector<16xf32>,
    %add3A_214 = arith.constant 1 : i32
    %add3A_215 = vector.broadcast %add3A_214 : i32 to vector<16xi32>
    %add3A_216 = arith.addi %add3A_5, %add3A_215 : vector<16xi32>
    %gather3A_217 = tpu.vector_load_idx %arg16[%add3A_216] : memref<32xf32, #tpu.memory_space<vmem>>[vector<16xi32>], vector<16xf32>,
    %add3A_218 = arith.addf %gather3A_213, %gather3A_217 : vector<16xf32>
    %swap3A_219 = arith.constant 3 : i32
    %swap3A_220 = arith.index_cast %swap3A_219 : i32 to index
    %swap3A_221 = arith.constant 0 : index
    %swap3A_222 = tpu.vector_load %arg20[%swap3A_220, %swap3A_221] {strides = array<i32>} : memref<4x16xf32, #tpu.memory_space<vmem>>, vector<16xf32>,
    tpu.vector_store %arg20[%swap3A_220, %swap3A_221], %add3A_218 {strides = array<i32>} : memref<4x16xf32, #tpu.memory_space<vmem>>, vector<16xf32>,
    "tpu.region"() ({
      %run_scoped3A = tpu.sem_alloc : memref<!tpu.dma_semaphore, #tpu.memory_space<semaphore_mem>>
      %dma_start3A_223 = arith.constant 0 : i32
      %dma_start3A_224 = arith.constant 0 : i32
      %dma_start3A_225 = tpu.memref_slice %arg5[%add3A, %dma_start3A_223, %dma_start3A_224] : memref<32x4x16xf32, #tpu.memory_space<hbm>> -> memref<1x4x16xf32, #tpu.memory_space<hbm>>
      %dma_start3A_226 = tpu.memref_squeeze %dma_start3A_225 : memref<1x4x16xf32, #tpu.memory_space<hbm>> -> memref<4x16xf32, #tpu.memory_space<hbm>>
      %dma_start3A_227 = arith.constant 0 : i32
      %dma_start3A_228 = arith.constant 0 : i32
      %dma_start3A_229 = tpu.memref_slice %arg5[%add3A, %dma_start3A_227, %dma_start3A_228] : memref<32x4x16xf32, #tpu.memory_space<hbm>> -> memref<1x4x16xf32, #tpu.memory_space<hbm>>
      %dma_start3A_230 = tpu.memref_squeeze %dma_start3A_229 : memref<1x4x16xf32, #tpu.memory_space<hbm>> -> memref<4x16xf32, #tpu.memory_space<hbm>>
      tpu.enqueue_dma source(%arg20 : memref<4x16xf32, #tpu.memory_space<vmem>>) target(%dma_start3A_230 : memref<4x16xf32, #tpu.memory_space<hbm>>) target_semaphore(%run_scoped3A : memref<!tpu.dma_semaphore, #tpu.memory_space<semaphore_mem>>)
      %dma_wait3A_231 = arith.constant 0 : i32
      %dma_wait3A_232 = arith.constant 0 : i32
      %dma_wait3A_233 = tpu.memref_slice %arg5[%add3A, %dma_wait3A_231, %dma_wait3A_232] : memref<32x4x16xf32, #tpu.memory_space<hbm>> -> memref<1x4x16xf32, #tpu.memory_space<hbm>>
      %dma_wait3A_234 = tpu.memref_squeeze %dma_wait3A_233 : memref<1x4x16xf32, #tpu.memory_space<hbm>> -> memref<4x16xf32, #tpu.memory_space<hbm>>
      %dma_wait3A_235 = arith.constant 0 : i32
      %dma_wait3A_236 = arith.constant 0 : i32
      %dma_wait3A_237 = tpu.memref_slice %arg5[%add3A, %dma_wait3A_235, %dma_wait3A_236] : memref<32x4x16xf32, #tpu.memory_space<hbm>> -> memref<1x4x16xf32, #tpu.memory_space<hbm>>
      %dma_wait3A_238 = tpu.memref_squeeze %dma_wait3A_237 : memref<1x4x16xf32, #tpu.memory_space<hbm>> -> memref<4x16xf32, #tpu.memory_space<hbm>>
      tpu.wait_dma2 semaphore(%run_scoped3A : memref<!tpu.dma_semaphore, #tpu.memory_space<semaphore_mem>>) src(%arg20 : memref<4x16xf32, #tpu.memory_space<vmem>>) dst(%dma_wait3A_238 : memref<4x16xf32, #tpu.memory_space<hbm>>)
      tpu.yield
    }) : () -> ()
    return
  }
}

module attributes {stable_mosaic.version = 14 : i64} {
  func.func @body(%arg0: memref<32x4x16xf32, #tpu.memory_space<vmem>>, %arg1: memref<2x16xf32, #tpu.memory_space<vmem>>, %arg2: memref<1x1xf32, #tpu.memory_space<vmem>>, %arg3: memref<1x1xf32, #tpu.memory_space<vmem>>) attributes {dimension_semantics = [], scalar_prefetch = 0 : i64, scratch_operands = 0 : i64, tpu.core_type = #tpu.core_type<tc>} {
    %get3A = arith.constant 0 : index
    %get3A_0 = arith.constant 0 : index
    %get3A_1 = arith.constant 0 : index
    %get3A_2 = vector.load %arg0[%get3A, %get3A_0, %get3A_1] : memref<32x4x16xf32, #tpu.memory_space<vmem>>, vector<32x4x16xf32>
    %reduce_sum3A = arith.constant dense<0.000000e+00> : vector<4x16xf32>
    %reduce_sum3A_3 = vector.multi_reduction <add>, %get3A_2, %reduce_sum3A [0] : vector<32x4x16xf32> to vector<4x16xf32>
    %slice3A = vector.extract_strided_slice %reduce_sum3A_3 {offsets = [0, 0], sizes = [1, 16], strides = [1, 1]} : vector<4x16xf32> to vector<1x16xf32>
    %slice3A_4 = vector.extract_strided_slice %reduce_sum3A_3 {offsets = [1, 0], sizes = [1, 16], strides = [1, 1]} : vector<4x16xf32> to vector<1x16xf32>
    %slice3A_5 = vector.extract_strided_slice %reduce_sum3A_3 {offsets = [2, 0], sizes = [1, 16], strides = [1, 1]} : vector<4x16xf32> to vector<1x16xf32>
    %slice3A_6 = vector.extract_strided_slice %reduce_sum3A_3 {offsets = [3, 0], sizes = [1, 16], strides = [1, 1]} : vector<4x16xf32> to vector<1x16xf32>
    %get3A_7 = arith.constant 0 : index
    %get3A_8 = arith.constant 0 : index
    %get3A_9 = vector.load %arg1[%get3A_7, %get3A_8] : memref<2x16xf32, #tpu.memory_space<vmem>>, vector<1x16xf32>
    %get3A_10 = arith.constant 1 : index
    %get3A_11 = arith.constant 0 : index
    %get3A_12 = vector.load %arg1[%get3A_10, %get3A_11] : memref<2x16xf32, #tpu.memory_space<vmem>>, vector<1x16xf32>
    %mul3A = arith.mulf %get3A_9, %slice3A : vector<1x16xf32>
    %mul3A_13 = arith.mulf %get3A_12, %slice3A_4 : vector<1x16xf32>
    %add3A = arith.addf %mul3A, %mul3A_13 : vector<1x16xf32>
    %mul3A_14 = arith.constant 2.000000e+00 : f32
    %mul3A_15 = vector.broadcast %mul3A_14 : f32 to vector<1x16xf32>
    %mul3A_16 = arith.mulf %mul3A_15, %add3A : vector<1x16xf32>
    %sub3A = arith.subf %slice3A_5, %mul3A_16 : vector<1x16xf32>
    %gt3A = arith.constant 0.000000e+00 : f32
    %gt3A_17 = vector.broadcast %gt3A : f32 to vector<1x16xf32>
    %gt3A_18 = arith.cmpf ogt, %slice3A_6, %gt3A_17 : vector<1x16xf32>
    %max3A = arith.constant 1.000000e+00 : f32
    %max3A_19 = vector.broadcast %max3A : f32 to vector<1x16xf32>
    %max3A_20 = arith.maximumf %slice3A_6, %max3A_19 : vector<1x16xf32>
    %div3A = arith.divf %sub3A, %max3A_20 : vector<1x16xf32>
    %mul3A_21 = arith.mulf %get3A_9, %get3A_9 : vector<1x16xf32>
    %add3A_22 = arith.addf %div3A, %mul3A_21 : vector<1x16xf32>
    %mul3A_23 = arith.mulf %get3A_12, %get3A_12 : vector<1x16xf32>
    %add3A_24 = arith.addf %add3A_22, %mul3A_23 : vector<1x16xf32>
    %jit3A = arith.constant 0.000000e+00 : f32
    %broadcast_in_dim3A = vector.broadcast %jit3A : f32 to vector<1x16xf32>
    %select_n3A = arith.select %gt3A_18, %add3A_24, %broadcast_in_dim3A : vector<1x16xi1>, vector<1x16xf32>
    %reduce_sum3A_25 = vector.shape_cast %select_n3A : vector<1x16xf32> to vector<1x1x16xf32>
    %reduce_sum3A_26 = arith.constant dense<0.000000e+00> : vector<1xf32>
    %reduce_sum3A_27 = vector.multi_reduction <add>, %reduce_sum3A_25, %reduce_sum3A_26 [1, 2] : vector<1x1x16xf32> to vector<1xf32>
    %reduce_sum3A_28 = vector.shape_cast %reduce_sum3A_27 : vector<1xf32> to vector<1x1x1xf32>
    %reduce_sum3A_29 = vector.extract %reduce_sum3A_28[0, 0, 0] : f32 from vector<1x1x1xf32>
    %get3A_30 = arith.constant 0 : index
    %get3A_31 = arith.constant 0 : index
    %get3A_32 = vector.load %arg2[%get3A_30, %get3A_31] : memref<1x1xf32, #tpu.memory_space<vmem>>, vector<1x1xf32>
    %get3A_33 = vector.extract %get3A_32[0, 0] : f32 from vector<1x1xf32>
    %mul3A_34 = arith.mulf %reduce_sum3A_29, %get3A_33 : f32
    %mul3A_35 = arith.constant 2.500000e-07 : f32
    %mul3A_36 = arith.mulf %mul3A_34, %mul3A_35 : f32
    %broadcast_in_dim3A_37 = vector.broadcast %mul3A_36 : f32 to vector<1x1xf32>
    %swap3A = arith.constant 0 : index
    %swap3A_38 = arith.constant 0 : index
    %swap3A_39 = vector.load %arg3[%swap3A, %swap3A_38] : memref<1x1xf32, #tpu.memory_space<vmem>>, vector<1x1xf32>
    tpu.vector_store %arg3[%swap3A, %swap3A_38], %broadcast_in_dim3A_37 {strides = array<i32>} : memref<1x1xf32, #tpu.memory_space<vmem>>, vector<1x1xf32>,
    return
  }
}

</mosaic_0001>

<sc_bundles>
// kernel: kernel.4.cloned.1.call-start
scs
__scs_entry_jumppad:
0x0: {  	(pc) =	sbr.rel $0x88, $3  }
0x1: {  	(tag) =	ssettag $0x0;
	lr =	simm.s32 $0x1  }
0x2: {  	[smem:$0x3F9D] =	sst lr;
	_ =	strace $0xD0000000  }
0x3: {  	_ = 	snop  }
0x4: {  	_ = 	snop  }
0x5: {  	_ = 	snop  }
0x6: {  	_ = 	snop  }
0x7: {  	_ = 	snop  }
__scs_overlays_trampoline_lowered:
0x8: {  	[smem:$0x3FAC] =	sst s0  }
0x9: {  	[smem:$0x3FAD] =	sst s1  }
0xa: {  	[smem:$0x3FAE] =	sst s2  }
0xb: {  	[smem:$0x3FAF] =	sst s3  }
0xc: {  	[smem:$0x3FB0] =	sst s4  }
0xd: {  	[smem:$0x3FB1] =	sst s5  }
0xe: {  	[smem:$0x3FB2] =	sst s6  }
0xf: {  	[smem:$0x3FB3] =	sst s7  }
0x10: {  	[smem:$0x3FB4] =	sst s8  }
0x11: {  	[smem:$0x3FB5] =	sst s9;
	s0 =	simm.s32 @!p0 $0x0  }
0x12: {  	s1 =	sld [smem:$0x3F9B];
	s0 =	simm.s32 @p0 $0x1  }
0x13: {  	[smem:$0x3FB6] =	sst s0;
	s0 =	simm.s32 @!p1 $0x0  }
0x14: {  	s2 =	sld [smem:$0x3F9A];
	s0 =	simm.s32 @p1 $0x1  }
0x15: {  	[smem:$0x3FB7] =	sst s0;
	s0 =	simm.s32 @!p2 $0x0  }
0x16: {  	s3 =	sld [smem:$0x3FDB];
	s0 =	simm.s32 @p2 $0x1  }
0x17: {  	s4 =	simm.s32 $0x1BF5;
	[smem:$0x3FB9] =	sst s0  }
0x18: {  	s0 =	sld [smem:$0x3F9C];
	_ =	swait.ge [sflag:s4], $0x0  }
0x19: {  	s7 =	sld [smem:$0x3F9D]  }
0x1a: {  	s8 =	sadd.s32 $0xFFFFE003, lr  }
0x1b: {  	s9 =	sadd.s32 $0xFFFFFEF7, lr;
	s5 =	simm.s32 $0xFFFFFFFF;
	p2 =	slt.u32 s8, $0xFFFFF086  }
0x1c: {  	p1 =	slt.u32 s9, $0xF7A;
	s5 =	simm.s32 @!p2 $0x0  }
0x1d: {  	s5 =	simm.s32 @p1 $0x1;
	p0 =	seq.s32 s7, s2  }
0x1e: {  	s7 =	smul.u32 @!p0 $0xF7A, s2;
	p2 =	seq.s32 @!p0 s5, $0x0  }
0x1f: {  	s9 =	smul.u32 $0xF7A, s1;
	s8 =	simm.s32 @!p0 $0x1BF5;
	p2 =	por !p2, p0  }
0x20: {  	[sflag:s8] =	ssyncset.s32 @!p0 $0xFFFFF086;
	s6 =	sadd.s32 @!p0 s3, s7;
	s7 =	simm.s32 @!p0 $0x108  }
0x21: {  	s3 =	sadd.s32 s3, s9;
	s6 =	sadd.s32 @!p0 $0x88, s6;
	s7 =	simm.s32 @p2 $0x1082  }
0x22: {  	[simem:s7], [sflag:s8] =	dma.local @!p0 [hbm:s6], $0xF7A  }
0x23: {  	s9 =	sor.u32 $0xD0000000, s2;
	s6 =	simm.s32 $0x108;
	_ =	swait.ge @!p0 [sflag:s8], $0x0  }
0x24: {  	s3 =	sadd.s32 $0x88, s3;
	s6 =	simm.s32 @!p1 $0x1082;
	[sflag:s4] =	ssyncset.s32 $0xFFFFF086  }
0x25: {  	[simem:s6], [sflag:s4] =	dma.local [hbm:s3], $0xF7A  }
0x26: {  	[smem:$0x3F9D] =	sst s1;
	(tag) =	ssettag s2;
	_ =	strace s9  }
0x27: {  	s1 =	sld [smem:$0x3FAD]  }
0x28: {  	s2 =	sld [smem:$0x3FAE]  }
0x29: {  	s4 =	sld [smem:$0x3FB0]  }
0x2a: {  	p0 =	seq.s32 s5, $0x0;
	s5 =	sld [smem:$0x3FB1]  }
0x2b: {  	s6 =	sld [smem:$0x3FB2]  }
0x2c: {  	s7 =	sld [smem:$0x3FB3]  }
0x2d: {  	s3 =	simm.s32 $0x108;
	s8 =	sld [smem:$0x3FB4]  }
0x2e: {  	s3 =	simm.s32 @!p0 $0x1082;
	s9 =	sld [smem:$0x3FB5]  }
0x2f: {  	lr =	sadd.s32 s0, s3;
	s0 =	sld [smem:$0x3FAC]  }
0x30: {  	s3 =	sld [smem:$0x3FAF]  }
0x31: {  	[smem:$0x3FB8] =	sst s10  }
0x32: {  	s10 =	sld [smem:$0x3FB6];
	_ =	sdelay $0x3  }
0x33: {  	p0 =	seq.s32 s10, $0x1;
	s10 =	sld [smem:$0x3FB8];
	_ =	sdelay $0x3  }
0x34: {  	[smem:$0x3FB8] =	sst s10  }
0x35: {  	s10 =	sld [smem:$0x3FB7];
	_ =	sdelay $0x3  }
0x36: {  	p1 =	seq.s32 s10, $0x1;
	s10 =	sld [smem:$0x3FB8];
	_ =	sdelay $0x3  }
0x37: {  	[smem:$0x3FB8] =	sst s10  }
0x38: {  	s10 =	sld [smem:$0x3FB9]  }
0x39: {  	_ = 	snop;
	(pc) =	sbr.ind lr, $3  }
0x3a: {  	_ = 	snop  }
0x3b: {  	_ = 	snop  }
0x3c: {  	p2 =	seq.s32 s10, $0x1;
	s10 =	sld [smem:$0x3FB8]  }
0x3d: {  	_ =	shalt  }
0x3e: {  	_ =	shalt  }
0x3f: {  	_ =	shalt  }
0x40: {  	_ =	shalt  }
0x41: {  	_ =	shalt  }
0x42: {  	_ =	shalt  }
0x43: {  	_ =	shalt  }
0x44: {  	_ =	shalt  }
0x45: {  	_ =	shalt  }
0x46: {  	_ =	shalt  }
0x47: {  	_ =	shalt  }
0x48: {  	_ =	shalt  }
0x49: {  	_ =	shalt  }
0x4a: {  	_ =	shalt  }
0x4b: {  	_ =	shalt  }
0x4c: {  	_ =	shalt  }
0x4d: {  	_ =	shalt  }
0x4e: {  	_ =	shalt  }
0x4f: {  	_ =	shalt  }
0x50: {  	_ =	shalt  }
0x51: {  	_ =	shalt  }
0x52: {  	_ =	shalt  }
0x53: {  	_ =	shalt  }
0x54: {  	_ =	shalt  }
0x55: {  	_ =	shalt  }
0x56: {  	_ =	shalt  }
0x57: {  	_ =	shalt  }
0x58: {  	_ =	shalt  }
0x59: {  	_ =	shalt  }
0x5a: {  	_ =	shalt  }
0x5b: {  	_ =	shalt  }
0x5c: {  	_ =	shalt  }
0x5d: {  	_ =	shalt  }
0x5e: {  	_ =	shalt  }
0x5f: {  	_ =	shalt  }
0x60: {  	_ =	shalt  }
0x61: {  	_ =	shalt  }
0x62: {  	_ =	shalt  }
0x63: {  	_ =	shalt  }
0x64: {  	_ =	shalt  }
0x65: {  	_ =	shalt  }
0x66: {  	_ =	shalt  }
0x67: {  	_ =	shalt  }
0x68: {  	_ =	shalt  }
0x69: {  	_ =	shalt  }
0x6a: {  	_ =	shalt  }
0x6b: {  	_ =	shalt  }
0x6c: {  	_ =	shalt  }
0x6d: {  	_ =	shalt  }
0x6e: {  	_ =	shalt  }
0x6f: {  	_ =	shalt  }
0x70: {  	_ =	shalt  }
0x71: {  	_ =	shalt  }
0x72: {  	_ =	shalt  }
0x73: {  	_ =	shalt  }
0x74: {  	_ =	shalt  }
0x75: {  	_ =	shalt  }
0x76: {  	_ =	shalt  }
0x77: {  	_ =	shalt  }
0x78: {  	_ =	shalt  }
0x79: {  	_ =	shalt  }
0x7a: {  	_ =	shalt  }
0x7b: {  	_ =	shalt  }
0x7c: {  	_ =	shalt  }
0x7d: {  	_ =	shalt  }
0x7e: {  	_ =	shalt  }
0x7f: {  	_ =	shalt  }
0x80: {  	_ =	shalt  }
0x81: {  	_ =	shalt  }
0x82: {  	_ =	shalt  }
0x83: {  	_ =	shalt  }
0x84: {  	_ =	shalt  }
0x85: {  	_ =	shalt  }
0x86: {  	_ =	shalt  }
0x87: {  	_ =	shalt  }
.Lfunc_end0:
.L_simem_size_0:
called_computation_lowered:
.L_overlay_start_0:
0x88: {  	s2 =	sld [smem:$0x3FD9]  }
0x89: {  	s3 =	sld [smem:$0x3FFE];
	_ =	sdelay $0x1  }
0x8a: {  	s1 =	srdreg.scid  }
0x8b: {  	s0 =	sand.u32 $0x1, s1  }
0x8c: {  	s17 =	sshll.u32 s0, $0xA;
	s2 =	sadd.s32 s3, s2  }
0x8d: {  	s2 =	sadd.s32 s2, s17  }
0x8e: {  	[smem:$0x3FC4] =	sst s2  }
0x8f: {  	_ = 	snop  }
0x90: {  	s2 =	sld [smem:$0x3FC8];
	(tm) =	ssettm $0x1  }
0x91: {  	s18 =	sld [smem:$0x3FFB];
	_ =	sdelay $0x3  }
0x92: {  	_ =	strace s18  }
0x93: {  	s3 =	sld [smem:$0x3FFC];
	_ =	sdelay $0x3  }
0x94: {  	_ =	strace s3  }
0x95: {  	s3 =	sld [smem:$0x3FFD];
	_ =	sdelay $0x3  }
0x96: {  	_ =	strace s3  }
0x97: {  	_ =	strace $0x8FFFFFFF  }
0x98: {  	s19 =	sld [smem:$0x3FDB];
	_ =	sdelay $0x1  }
0x99: {  	s4 =	simm.s32 $_scs_section_size  }
0x9a: {  	s5 =	simm.s32 $_size__tile_overlayer_lowered;
	s6 =	simm.s32 $_tile_overlayer_lowered  }
0x9b: {  	s22 =	simm.s32 $0x1BFF;
	s21 =	sshll.u32 s6, $0x1;
	s3 =	sadd.s32 s4, s19  }
0x9c: {  	s7 =	simm.s32 $0x0;
	s20 =	sshll.u32 s5, $0x1;
	s5 =	sadd.s32 s21, s3  }
0x9d: {  	[timem:s7], [sflag:s22] =	dma.local [hbm:s5], s20  }
0x9e: {  	_ =	swait.ge [sflag:s22], s20  }
0x9f: {  	s4 =	ssub.s32 $0x0, s20;
	[sflag:s22] =	ssyncset.done $0x0  }
0xa0: {  	[sflag:s22] =	ssyncadd.s32 s4;
	_ =	sdelay $0x1  }
0xa1: {  	s23 =	simm.s32 $0x1B8B  }
0xa2: {  	_ =	swait.ge [sflag:s23], $0x1  }
0xa3: {  	[sflag:s23] =	ssyncset.done $0x0  }
0xa4: {  	s25 =	simm.s32 $0x1B8E;
	s24 =	sld [smem:$0x3FFE];
	[sflag:s23] =	ssyncadd.s32 $0xFFFFFFFF  }
0xa5: {  	s26 =	simm.s32 $execute0_lowered;
	[smem:$0x3FD2] =	sst s25  }
0xa6: {  	s5 =	sshll.u32 s26, $0x1;
	_ =	strace $0x80000046;
	[dreg:$0x1] =	wrdreg $0xFFFFFFFF  }
0xa7: {  	s28 =	simm.s32 $_size_execute0_lowered;
	s3 =	sadd.s32 s3, s5;
	[dreg:$0x0] =	wrdreg $0x0  }
0xa8: {  	s5 =	sshll.u32 s28, $0x1;
	[dreg:$0x2] =	wrdreg s3  }
0xa9: {  	[dreg:$0x3] =	wrdreg s5  }
0xaa: {  	[dreg:$0x4] =	wrdreg $0xC0  }
0xab: {  	_ =	task [dreg:s7], $0x5FFFF  }
0xac: {  	[dreg:$0x1] =	wrdreg $0xFFFFFFFF  }
0xad: {  	[dreg:$0x0] =	wrdreg $0x60  }
0xae: {  	[dreg:$0x2] =	wrdreg s24  }
0xaf: {  	[dreg:$0x3] =	wrdreg s2  }
0xb0: {  	[dreg:$0x4] =	wrdreg $0x9  }
0xb1: {  	_ =	task.clear_ibuf [dreg:s7], $0x5FFFF;
	_ =	strace $0x90000046  }
0xb2: {  	s29 =	simm.s32 $0x9;
	_ =	strace $0x80000048  }
0xb3: {  	_ =	swait.ge [sflag:s29], $0x1  }
0xb4: {  	[sflag:s29] =	ssyncadd.s32 $0xFFFFFFFF  }
0xb5: {  	_ =	strace $0x90000048  }
0xb6: {  	_ =	sfence  }
0xb7: {  	s30 =	sld [smem:$0x0];
	_ =	sdelay $0x2  }
0xb8: {  	s31 =	sshll.u32 s1, $0xD;
	s1 =	sshrl.u32 s1, $0x2  }
0xb9: {  	s3 =	sand.u32 $0x4000, s31;
	s1 =	sadd.s32 s1, s30  }
0xba: {  	s0 =	sor.u32 s3, s0;
	s1 =	sshll.u32 s1, $0x11  }
0xbb: {  	s0 =	sor.u32 s1, s0  }
0xbc: {  	s0 =	sadd.s32 $0x8F2B, s0  }
0xbd: {  	[sflag:s0] =	ssyncadd.remote.s32 $0x1  }
0xbe: {  	_ =	sfence.sel $0xFFFF  }
0xbf: {  	[dreg:$0x0] =	wrdreg $0xFFFFFFFF;
	(pc) =	sbr.abs _section_cstart, $3  }
0xc0: {  	[dreg:$0x1] =	wrdreg $0xFFFFFFFF  }
0xc1: {  	_ =	task.clear_ibuf [dreg:s7], $0x2FFFF;
	_ =	strace $0x9FFFFFFF  }
0xc2: {  	(tm) =	ssettm $0x7FFFFFFF  }
0xc3: {  	_ =	shalt  }
tec
execute0_lowered:
.L_overlay_start_1:
0x0: {  	(tag) =	ssettag $0x1  }
0x1: {  	s0 =	rddreg [dreg:$0x0];
	s1 =	srdreg.scid  }
0x2: {  	s15 =	stileid.u32;
	s4 =	rddreg [dreg:$0x1]  }
0x3: {  	s2 =	simm.s32 $0x0;
	s20 =	simm.s32 $0x3D00;
	s21 =	simm.s32 $0x7A00  }
0x4: {  	s28 =	simm.s32 $0x16E00;
	s29 =	simm.s32 $0x16E80;
	s30 =	simm.s32 $0x17080  }
0x5: {  	s31 =	simm.s32 $0x16F80;
	s16 =	simm.s32 $0x0;
	s1 =	sand.u32 $0x1, s1  }
0x6: {  	s3 =	sshll.u32 s15, $0x1;
	[smem:$0x7FF] =	sst s2;
	s6 =	sadd.s32 $0x400, s0  }
0x7: {  	p0 =	sgt.u32 s15, $0x8;
	s15 =	simm.s32 $0x3;
	s3 =	sor.u32 s1, s3  }
0x8: {  	_ =	strace $0x80000047;
	s1 =	ssub.s32 $0x2, s1;
	s5 =	smul.u32 $0x3D0, s3  }
0x9: {  	s7 =	smin.u32 s3, $0x12;
	s3 =	sshll.u32 s3, $0x6;
	s22 =	sshrl.u32 s1, $0x1  }
0xa: {  	s0 =	sadd.s32 s3, s0;
	s1 =	ssub.s32 s1, s22;
	s5 =	sadd.s32 s7, s5  }
0xb: {  	s18 =	sadd.s32 $0x7A600, s0;
	s19 =	smax.u32 s1, $0x1;
	s5 =	sshll.u32 s5, $0x3  }
0xc: {  	s1 =	simm.s32 $0x17000;
	s0 =	simm.s32 $0x2;
	s3 =	sadd.s32 s6, s5  }
0xd: {  	s8 =	sadd.s32 $0x7A0, s5;
	s24 =	sadd.s32 s4, s5;
	s11 =	sadd.s32 $0xF40, s5  }
0xe: {  	s14 =	sadd.s32 $0x16E0, s5;
	s5 =	sadd.s32 $0x1E80, s5;
	s23 =	sadd.s32 $0x3D090, s3  }
0xf: {  	[dreg:$0x4] =	wrdreg s24;
	s25 =	sadd.s32 s6, s8;
	s7 =	sadd.s32 $0x3D830, s3  }
0x10: {  	s8 =	sadd.s32 s4, s8;
	s9 =	sadd.s32 s6, s11;
	s10 =	sadd.s32 $0x3DFD0, s3  }
.Ltmp0:
0x11: {  	v0 =	vlaneseq.u32;
	s11 =	sadd.s32 s4, s11;
	[dreg:$0x3] =	wrdreg s23;
	(pc) =	sbr.rel .LBB2_1-.Ltmp0, $4  }
0x12: {  	v1 =	vand.u32 $0x1, v0;
	s12 =	sadd.s32 s6, s14;
	s6 =	sadd.s32 s6, s5;
	[dreg:$0x5] =	wrdreg s25  }
0x13: {  	v2 =	vmul.u32 $0x2, v1;
	s13 =	sadd.s32 $0x3E770, s3;
	s26 =	sadd.s32 $0x3EF10, s3;
	[dreg:$0x6] =	wrdreg s6  }
0x14: {  	s14 =	sadd.s32 s4, s14;
	s4 =	sadd.s32 s4, s5;
	[dreg:$0x7] =	wrdreg s26  }
0x15: {  	v3 =	vimm.f32 $0.0e+00;
	v4 =	vimm.f32 $1.000000000e+00;
	v5 =	vor.u32 $0x1, v2;
	[dreg:$0x8] =	wrdreg s4;
	s25 =	simm.s32 $0x1;
	s26 =	simm.s32 $0x16F00  }
.LBB2_11:
0x16: {  	v6 =	vld [tilespmem:$0x16E00]  }
0x17: {  	v7 =	vld [tilespmem:$0x16F80]  }
0x18: {  	v8 =	vld [tilespmem:$0x16E10]  }
0x19: {  	v9 =	vld [tilespmem:$0x16F90]  }
0x1a: {  	v10 =	vld [tilespmem:$0x16E20]  }
0x1b: {  	v11 =	vld [tilespmem:$0x16FA0]  }
0x1c: {  	v12 =	vld [tilespmem:$0x16E30]  }
0x1d: {  	v13 =	vld [tilespmem:$0x16FB0]  }
0x1e: {  	v14 =	vld [tilespmem:$0x16E80]  }
0x1f: {  	v15 =	vld [tilespmem:$0x17000]  }
0x20: {  	v16 =	vld [tilespmem:$0x16F00]  }
0x21: {  	v17 =	vld [tilespmem:$0x17080]  }
0x22: {  	v18 =	vld [tilespmem:$0x16E90]  }
0x23: {  	v54 =	vld [tilespmem:$0x16F10]  }
0x24: {  	v55 =	vld [tilespmem:$0x17090];
	v6 =	vadd.f32 v7, v6  }
0x25: {  	v7 =	vld [tilespmem:$0x17010];
	v8 =	vadd.f32 v9, v8  }
0x26: {  	[tilespmem:$0x16E00] =	vst v6;
	v6 =	vadd.f32 v11, v10  }
0x27: {  	v56 =	vadd.f32 v13, v12;
	[tilespmem:$0x16E10] =	vst v8  }
0x28: {  	v57 =	vmul.u32 $0x4, v0;
	[tilespmem:$0x16E20] =	vst v6;
	v6 =	vadd.f32 v15, v14  }
0x29: {  	v58 =	vadd.f32 v17, v16;
	[tilespmem:$0x16E30] =	vst v56  }
0x2a: {  	v59 =	vadd.f32 v55, v54;
	[tilespmem:$0x16E80] =	vst v6;
	v6 =	vadd.f32 v7, v18;
	v7 =	vor.u32 $0x1, v57  }
0x2b: {  	[tilespmem:$0x16F00] =	vst v58  }
0x2c: {  	[tilespmem:$0x16F10] =	vst v59  }
0x2d: {  	[tilespmem:$0x16E90] =	vst v6  }
0x2e: {  	v6 =	vld.idx.msk [tilespmem:v57+s28+$0x0], $0xffff  }
0x2f: {  	v7 =	vld.idx.msk [tilespmem:v7+s28+$0x0], $0xffff;
	_ =	sdelay $0x2  }
0x30: {  	v60 =	vor.u32 $0x2, v57  }
0x31: {  	v61 =	vor.u32 $0x3, v57  }
0x32: {  	v6 =	vadd.f32 v7, v6;
	_ =	sdelay $0x1  }
0x33: {  	[tilespmem:$0x17100] =	vst v6  }
0x34: {  	v6 =	vld.idx.msk [tilespmem:v60+s28+$0x0], $0xffff  }
0x35: {  	v7 =	vld.idx.msk [tilespmem:v61+s28+$0x0], $0xffff;
	_ =	sdelay $0x1  }
0x36: {  	v62 =	vmul.u32 $0x2, v0;
	_ =	sdelay $0x1  }
0x37: {  	v63 =	vor.u32 $0x1, v62  }
0x38: {  	v6 =	vadd.f32 v7, v6;
	_ =	sdelay $0x1  }
0x39: {  	[tilespmem:$0x17180] =	vst v6  }
0x3a: {  	v6 =	vld.idx.msk [tilespmem:v62+s29+$0x0], $0xffff  }
0x3b: {  	v7 =	vld.idx.msk [tilespmem:v63+s29+$0x0], $0xffff;
	_ =	sdelay $0x4  }
0x3c: {  	v6 =	vadd.f32 v7, v6;
	_ =	sdelay $0x1  }
0x3d: {  	[tilespmem:$0x17200] =	vst v6  }
0x3e: {  	v6 =	vld.idx.msk [tilespmem:v62+s26+$0x0], $0xffff  }
0x3f: {  	v7 =	vld.idx.msk [tilespmem:v63+s26+$0x0], $0xffff;
	_ =	sdelay $0x4  }
0x40: {  	s16 =	sadd.s32 $0x1, s16;
	v6 =	vadd.f32 v7, v6  }
0x41: {  	p1 =	sne.s32 s16, s19  }
.Ltmp1:
0x42: {  	s4 =	simm.s32 $0x17100;
	[tilespmem:$0x17280] =	vst v6;
	(pc) =	sbr.rel @!p1 .LBB2_12-.Ltmp1, $4  }
0x43: {  	[hbm4b:s18+s2] =	stream.linear.scatter [tilespmem:s4], [sflag:$0x3], $0x200, $0x38;
	[tilespmem:$0x17300] =	vst v63  }
0x44: {  	_ =	swait.ge [sflag:s15], $0x200  }
0x45: {  	[sflag:s15] =	ssyncset.done $0x0  }
0x46: {  	[sflag:s15] =	ssyncadd.s32 $0xFFFFFE00  }
.LBB2_1:
0x47: {  	[tilespmem:$0x16E00] =	vst v3  }
0x48: {  	[tilespmem:$0x16E10] =	vst v3  }
0x49: {  	[tilespmem:$0x16E20] =	vst v3  }
0x4a: {  	[tilespmem:$0x16E30] =	vst v3  }
0x4b: {  	[tilespmem:$0x16F80] =	vst v3  }
0x4c: {  	[tilespmem:$0x16F90] =	vst v3  }
0x4d: {  	[tilespmem:$0x16FA0] =	vst v3  }
0x4e: {  	[tilespmem:$0x16FB0] =	vst v3  }
0x4f: {  	[tilespmem:$0x16E80] =	vst v3  }
0x50: {  	[tilespmem:$0x16E90] =	vst v3  }
0x51: {  	[tilespmem:$0x16F00] =	vst v3  }
0x52: {  	[tilespmem:$0x16F10] =	vst v3  }
0x53: {  	[tilespmem:$0x17000] =	vst v3  }
0x54: {  	[tilespmem:$0x17010] =	vst v3  }
0x55: {  	[tilespmem:$0x17080] =	vst v3  }
0x56: {  	[tilespmem:$0x17090] =	vst v3  }
0x57: {  	[tilespmem:s2], [sflag:$0x1] =	stream.linear.gather [hbm4b:s3+s2], $0x3D00, $0x38;
	[tilespmem:$0x17300] =	vst v63  }
0x58: {  	s4 =	rddreg [dreg:$0x3]  }
0x59: {  	[tilespmem:s20], [sflag:$0x1] =	stream.linear.gather [hbm4b:s4+s2], $0x3D00, $0x38;
	[tilespmem:$0x17300] =	vst v63  }
0x5a: {  	s17 =	rddreg [dreg:$0x4]  }
0x5b: {  	[tilespmem:s21], [sflag:$0x1] =	stream.linear.gather [hbm4b:s17+s2], $0x3D00, $0x38;
	[tilespmem:$0x17300] =	vst v63  }
0x5c: {  	s22 =	rddreg [dreg:$0x5];
	s5 =	simm.s32 $0xB700  }
0x5d: {  	[tilespmem:s5], [sflag:$0x2] =	stream.linear.gather [hbm4b:s22+s2], $0x3D00, $0x38;
	[tilespmem:$0x17300] =	vst v63  }
0x5e: {  	s23 =	simm.s32 $0xF400  }
0x5f: {  	[tilespmem:s23], [sflag:$0x2] =	stream.linear.gather [hbm4b:s7+s2], $0x3D00, $0x38;
	[tilespmem:$0x17300] =	vst v63  }
0x60: {  	s24 =	simm.s32 $0x13100  }
0x61: {  	[tilespmem:s24], [sflag:$0x2] =	stream.linear.gather [hbm4b:s8+s2], $0x3D00, $0x38;
	[tilespmem:$0x17300] =	vst v63  }
0x62: {  	_ =	swait.ge [sflag:s25], $0x3D00  }
0x63: {  	[sflag:s25] =	ssyncset.done $0x0  }
0x64: {  	[sflag:s25] =	ssyncadd.s32 $0xFFFFC300  }
0x65: {  	_ =	swait.ge [sflag:s25], $0x3D00  }
0x66: {  	[sflag:s25] =	ssyncset.done $0x0  }
0x67: {  	[sflag:s25] =	ssyncadd.s32 $0xFFFFC300  }
0x68: {  	_ =	swait.ge [sflag:s25], $0x3D00  }
0x69: {  	[sflag:s25] =	ssyncset.done $0x0  }
0x6a: {  	s22 =	simm.s32 $0x7A40;
	[sflag:s25] =	ssyncadd.s32 $0xFFFFC300  }
0x6b: {  	v6 =	vld [tilespmem:s22+$0x20]  }
0x6c: {  	v7 =	vld [tilespmem:s22+$0x0]  }
0x6d: {  	v8 =	vld [tilespmem:s22+$0xFFFFFFC0]  }
0x6e: {  	v9 =	vld [tilespmem:s22+$0xFFFFFFE0];
	_ =	sdelay $0x1  }
0x6f: {  	s17 =	simm.s32 $0x3D40;
	v6 =	vtrunc.f32 v6  }
0x70: {  	s23 =	simm.s32 $0x40;
	v10 =	vld [tilespmem:s17+$0xFFFFFFE0];
	v7 =	vtrunc.f32 v7;
	v6 =	vcvt.f32.s32 v6  }
0x71: {  	v11 =	vld [tilespmem:s23+$0xFFFFFFE0];
	v8 =	vtrunc.f32 v8;
	v7 =	vcvt.f32.s32 v7  }
0x72: {  	v12 =	vld [tilespmem:s17+$0x0];
	v9 =	vtrunc.f32 v9;
	v8 =	vcvt.f32.s32 v8;
	v13 =	vshll.u32 v6, $0x1  }
0x73: {  	v14 =	vld [tilespmem:s23+$0x0];
	v9 =	vcvt.f32.s32 v9;
	v15 =	vshll.u32 v7, $0x1;
	v13 =	vor.u32 v1, v13  }
0x74: {  	v17 =	vld [tilespmem:s17+$0x20];
	v16 =	vshll.u32 v8, $0x1;
	v15 =	vor.u32 v1, v15  }
0x75: {  	v18 =	vld [tilespmem:s17+$0xFFFFFFC0];
	v23 =	vshll.u32 v9, $0x1;
	v16 =	vor.u32 v1, v16  }
0x76: {  	v19 =	vld [tilespmem:s23+$0x20];
	v6 =	vshll.u32 v6, $0x2;
	v23 =	vor.u32 v1, v23  }
0x77: {  	v21 =	vld [tilespmem:s23+$0xFFFFFFC0];
	v8 =	vshll.u32 v8, $0x2;
	v20 =	vor.u32 v2, v6  }
0x78: {  	v7 =	vshll.u32 v7, $0x2;
	v22 =	vor.u32 v2, v8;
	[tilespmem:v13+s26+$0x0] =	vst.idx.add.f32.msk $0xffff, v4  }
0x79: {  	v60 =	vor.u32 v2, v7;
	[tilespmem:v15+s26+$0x0] =	vst.idx.add.f32.msk $0xffff, v4  }
0x7a: {  	v6 =	vor.u32 v5, v6;
	[tilespmem:v16+s26+$0x0] =	vst.idx.add.f32.msk $0xffff, v4  }
0x7b: {  	v8 =	vor.u32 v5, v8;
	[tilespmem:v23+s26+$0x0] =	vst.idx.add.f32.msk $0xffff, v4  }
0x7c: {  	v7 =	vor.u32 v5, v7;
	[tilespmem:v20+s28+$0x0] =	vst.idx.add.f32.msk $0xffff, v19  }
0x7d: {  	[tilespmem:v22+s28+$0x0] =	vst.idx.add.f32.msk $0xffff, v21  }
0x7e: {  	v58 =	vmul.f32 v18, v18;
	v24 =	vmul.f32 v21, v21;
	[tilespmem:v60+s28+$0x0] =	vst.idx.add.f32.msk $0xffff, v14  }
0x7f: {  	[tilespmem:v6+s28+$0x0] =	vst.idx.add.f32.msk $0xffff, v17  }
0x80: {  	v6 =	vshll.u32 v9, $0x2;
	[tilespmem:v8+s28+$0x0] =	vst.idx.add.f32.msk $0xffff, v18;
	v8 =	vadd.f32 v58, v24;
	v9 =	vmul.f32 v19, v19  }
0x81: {  	v17 =	vmul.f32 v17, v17;
	[tilespmem:v7+s28+$0x0] =	vst.idx.add.f32.msk $0xffff, v12;
	v59 =	vor.u32 v2, v6  }
0x82: {  	[tilespmem:v16+s29+$0x0] =	vst.idx.add.f32.msk $0xffff, v8;
	v8 =	vor.u32 v5, v6  }
0x83: {  	v61 =	vadd.f32 v17, v9;
	v6 =	vld [tilespmem:s17+$0xFFFFFFD0]  }
0x84: {  	v9 =	vld [tilespmem:s23+$0xFFFFFFD0]  }
0x85: {  	[tilespmem:v13+s29+$0x0] =	vst.idx.add.f32.msk $0xffff, v61  }
0x86: {  	v62 =	vmul.f32 v11, v11;
	v63 =	vmul.f32 v10, v10;
	[tilespmem:v59+s28+$0x0] =	vst.idx.add.f32.msk $0xffff, v11  }
0x87: {  	[tilespmem:v8+s28+$0x0] =	vst.idx.add.f32.msk $0xffff, v10;
	v8 =	vmul.f32 v14, v14;
	v10 =	vmul.f32 v12, v12  }
0x88: {  	v13 =	vld [tilespmem:s22+$0x30];
	v11 =	vadd.f32 v63, v62  }
0x89: {  	v12 =	vld [tilespmem:s22+$0xFFFFFFD0];
	v8 =	vadd.f32 v10, v8  }
0x8a: {  	[tilespmem:v23+s29+$0x0] =	vst.idx.add.f32.msk $0xffff, v11  }
0x8b: {  	[tilespmem:v15+s29+$0x0] =	vst.idx.add.f32.msk $0xffff, v8  }
0x8c: {  	v8 =	vld [tilespmem:s22+$0xFFFFFFF0]  }
0x8d: {  	s6 =	simm.s32 $0x3DC0;
	v11 =	vld [tilespmem:s23+$0x30]  }
0x8e: {  	s4 =	simm.s32 $0x7A40;
	s5 =	simm.s32 $0x0;
	s24 =	simm.s32 $0x40;
	v10 =	vmul.f32 v9, v9;
	v7 =	vld [tilespmem:s17+$0xFFFFFFF0];
	v13 =	vtrunc.f32 v13  }
.LBB2_2:
0x8f: {  	s5 =	sadd.s32 $0x4, s5;
	v13 =	vcvt.f32.s32 v13;
	v14 =	vld [tilespmem:s17+$0x30];
	s22 =	sadd.s32 $0x80, s22;
	s23 =	sadd.s32 $0x80, s23  }
0x90: {  	v15 =	vld [tilespmem:s22+$0xFFFFFFC0];
	p1 =	slt.u32 s5, $0x1E4;
	v12 =	vtrunc.f32 v12  }
0x91: {  	v16 =	vld [tilespmem:s22+$0x20];
	v8 =	vtrunc.f32 v8;
	v17 =	vshll.u32 v13, $0x1;
	v13 =	vshll.u32 v13, $0x2  }
0x92: {  	v12 =	vcvt.f32.s32 v12;
	v18 =	vld [tilespmem:s22+$0xFFFFFFE0];
	v19 =	vcvt.f32.s32 v8;
	v17 =	vor.u32 v1, v17  }
0x93: {  	v21 =	vor.u32 v2, v13;
	v20 =	vld [tilespmem:s22+$0x0]  }
0x94: {  	v13 =	vor.u32 v5, v13;
	v22 =	vshll.u32 v12, $0x1;
	v12 =	vshll.u32 v12, $0x2;
	v23 =	vld [tilespmem:s4+$0x10];
	s4 =	smov.u32 s22  }
0x95: {  	v22 =	vor.u32 v1, v22;
	v24 =	vshll.u32 v19, $0x1;
	v19 =	vshll.u32 v19, $0x2;
	v8 =	vld [tilespmem:s6+$0xFFFFFFE0]  }
0x96: {  	v25 =	vor.u32 v2, v12;
	v26 =	vld [tilespmem:s24+$0xFFFFFFF0]  }
0x97: {  	[tilespmem:v17+s30+$0x0] =	vst.idx.add.f32.msk $0xffff, v4  }
0x98: {  	v24 =	vor.u32 v1, v24;
	[tilespmem:v21+s31+$0x0] =	vst.idx.add.f32.msk $0xffff, v11  }
0x99: {  	v12 =	vor.u32 v5, v12;
	v21 =	vtrunc.f32 v23;
	[tilespmem:v13+s31+$0x0] =	vst.idx.add.f32.msk $0xffff, v14  }
0x9a: {  	[tilespmem:v22+s30+$0x0] =	vst.idx.add.f32.msk $0xffff, v4;
	v13 =	vcvt.f32.s32 v21  }
0x9b: {  	[tilespmem:v25+s31+$0x0] =	vst.idx.add.f32.msk $0xffff, v9;
	v9 =	vmul.f32 v14, v14  }
0x9c: {  	v11 =	vmul.f32 v11, v11;
	v14 =	vmul.f32 v6, v6;
	v21 =	vld [tilespmem:s17+$0x10];
	v23 =	vshll.u32 v13, $0x1;
	s17 =	smov.u32 s6  }
0x9d: {  	v25 =	vor.u32 v2, v19;
	[tilespmem:v24+s30+$0x0] =	vst.idx.add.f32.msk $0xffff, v4;
	v23 =	vor.u32 v1, v23  }
0x9e: {  	v13 =	vshll.u32 v13, $0x2;
	v10 =	vadd.f32 v14, v10;
	v9 =	vadd.f32 v9, v11;
	v14 =	vld [tilespmem:s24+$0x10];
	s24 =	smov.u32 s23  }
0x9f: {  	v11 =	vor.u32 v2, v13;
	[tilespmem:v12+s31+$0x0] =	vst.idx.add.f32.msk $0xffff, v6;
	v6 =	vor.u32 v5, v19  }
0xa0: {  	v12 =	vmul.f32 v7, v7;
	[tilespmem:v17+s1+$0x0] =	vst.idx.add.f32.msk $0xffff, v9  }
0xa1: {  	v9 =	vmul.f32 v26, v26;
	[tilespmem:v22+s1+$0x0] =	vst.idx.add.f32.msk $0xffff, v10;
	v10 =	vor.u32 v5, v13  }
0xa2: {  	v13 =	vmul.f32 v21, v21;
	[tilespmem:v25+s31+$0x0] =	vst.idx.add.f32.msk $0xffff, v26  }
0xa3: {  	v9 =	vadd.f32 v12, v9;
	[tilespmem:v23+s30+$0x0] =	vst.idx.add.f32.msk $0xffff, v4;
	v12 =	vmul.f32 v14, v14  }
0xa4: {  	[tilespmem:v6+s31+$0x0] =	vst.idx.add.f32.msk $0xffff, v7  }
0xa5: {  	[tilespmem:v11+s31+$0x0] =	vst.idx.add.f32.msk $0xffff, v14;
	v6 =	vadd.f32 v13, v12  }
0xa6: {  	v7 =	vtrunc.f32 v15;
	[tilespmem:v24+s1+$0x0] =	vst.idx.add.f32.msk $0xffff, v9  }
0xa7: {  	v7 =	vcvt.f32.s32 v7;
	v9 =	vtrunc.f32 v16;
	[tilespmem:v10+s31+$0x0] =	vst.idx.add.f32.msk $0xffff, v21  }
0xa8: {  	v10 =	vtrunc.f32 v20;
	v9 =	vcvt.f32.s32 v9;
	[tilespmem:v23+s1+$0x0] =	vst.idx.add.f32.msk $0xffff, v6  }
0xa9: {  	v11 =	vtrunc.f32 v18;
	v6 =	vshll.u32 v7, $0x1;
	v10 =	vcvt.f32.s32 v10;
	v12 =	vld [tilespmem:s23+$0xFFFFFFE0]  }
0xaa: {  	v11 =	vcvt.f32.s32 v11;
	v7 =	vshll.u32 v7, $0x2;
	v14 =	vshll.u32 v9, $0x1;
	v13 =	vld [tilespmem:s6+$0x0]  }
0xab: {  	v15 =	vor.u32 v2, v7;
	v17 =	vshll.u32 v10, $0x1;
	v14 =	vor.u32 v1, v14;
	v16 =	vld [tilespmem:s23+$0x0]  }
0xac: {  	v18 =	vshll.u32 v11, $0x1;
	v9 =	vshll.u32 v9, $0x2;
	v17 =	vor.u32 v1, v17;
	v19 =	vld [tilespmem:s6+$0x20]  }
0xad: {  	v6 =	vor.u32 v1, v6;
	v18 =	vor.u32 v1, v18;
	v21 =	vor.u32 v5, v9;
	v20 =	vld [tilespmem:s6+$0xFFFFFFC0]  }
0xae: {  	v9 =	vor.u32 v2, v9;
	v22 =	vmul.f32 v12, v12;
	v23 =	vld [tilespmem:s23+$0x20]  }
0xaf: {  	v24 =	vld [tilespmem:s23+$0xFFFFFFC0]  }
0xb0: {  	v11 =	vshll.u32 v11, $0x2;
	[tilespmem:v14+s26+$0x0] =	vst.idx.add.f32.msk $0xffff, v4  }
0xb1: {  	v7 =	vor.u32 v5, v7;
	v25 =	vor.u32 v2, v11;
	[tilespmem:v17+s26+$0x0] =	vst.idx.add.f32.msk $0xffff, v4  }
0xb2: {  	[tilespmem:v6+s26+$0x0] =	vst.idx.add.f32.msk $0xffff, v4;
	v26 =	vmul.f32 v20, v20  }
0xb3: {  	[tilespmem:v9+s28+$0x0] =	vst.idx.add.f32.msk $0xffff, v23  }
0xb4: {  	v11 =	vor.u32 v5, v11;
	v10 =	vshll.u32 v10, $0x2;
	v9 =	vmul.f32 v24, v24;
	[tilespmem:v21+s28+$0x0] =	vst.idx.add.f32.msk $0xffff, v19  }
0xb5: {  	[tilespmem:v15+s28+$0x0] =	vst.idx.add.f32.msk $0xffff, v24;
	v15 =	vor.u32 v2, v10  }
0xb6: {  	[tilespmem:v7+s28+$0x0] =	vst.idx.add.f32.msk $0xffff, v20;
	v7 =	vadd.f32 v26, v9  }
0xb7: {  	v19 =	vmul.f32 v19, v19;
	v9 =	vmul.f32 v23, v23;
	[tilespmem:v18+s26+$0x0] =	vst.idx.add.f32.msk $0xffff, v4  }
0xb8: {  	[tilespmem:v6+s29+$0x0] =	vst.idx.add.f32.msk $0xffff, v7;
	v7 =	vor.u32 v5, v10  }
0xb9: {  	v10 =	vadd.f32 v19, v9;
	v6 =	vld [tilespmem:s6+$0xFFFFFFD0]  }
0xba: {  	v9 =	vld [tilespmem:s23+$0xFFFFFFD0]  }
0xbb: {  	v19 =	vmul.f32 v8, v8;
	[tilespmem:v14+s29+$0x0] =	vst.idx.add.f32.msk $0xffff, v10  }
0xbc: {  	[tilespmem:v25+s28+$0x0] =	vst.idx.add.f32.msk $0xffff, v12  }
0xbd: {  	v12 =	vadd.f32 v19, v22;
	[tilespmem:v15+s28+$0x0] =	vst.idx.add.f32.msk $0xffff, v16  }
0xbe: {  	[tilespmem:v11+s28+$0x0] =	vst.idx.add.f32.msk $0xffff, v8;
	v8 =	vmul.f32 v16, v16;
	v11 =	vmul.f32 v13, v13  }
0xbf: {  	v10 =	vmul.f32 v9, v9;
	[tilespmem:v18+s29+$0x0] =	vst.idx.add.f32.msk $0xffff, v12  }
0xc0: {  	v8 =	vadd.f32 v11, v8;
	v14 =	vld [tilespmem:s22+$0x30]  }
0xc1: {  	[tilespmem:v7+s28+$0x0] =	vst.idx.add.f32.msk $0xffff, v13  }
.Ltmp2:
0xc2: {  	[tilespmem:v17+s29+$0x0] =	vst.idx.add.f32.msk $0xffff, v8;
	(pc) =	sbr.rel @p1 .LBB2_2-.Ltmp2, $4  }
0xc3: {  	v12 =	vld [tilespmem:s22+$0xFFFFFFD0]  }
0xc4: {  	v8 =	vld [tilespmem:s22+$0xFFFFFFF0]  }
0xc5: {  	v11 =	vld [tilespmem:s23+$0x30]  }
0xc6: {  	s6 =	sadd.s32 $0x80, s6;
	v13 =	vtrunc.f32 v14;
	v7 =	vld [tilespmem:s17+$0xFFFFFFF0]  }
0xc7: {  	v13 =	vcvt.f32.s32 v13;
	_ =	sdelay $0x1  }
0xc8: {  	v14 =	vshll.u32 v13, $0x1  }
0xc9: {  	v12 =	vtrunc.f32 v12;
	v13 =	vshll.u32 v13, $0x2;
	v14 =	vor.u32 v1, v14  }
0xca: {  	v16 =	vld [tilespmem:s17+$0x30];
	v12 =	vcvt.f32.s32 v12;
	v15 =	vor.u32 v2, v13  }
0xcb: {  	v18 =	vld [tilespmem:s4+$0x10]  }
0xcc: {  	v20 =	vld [tilespmem:s24+$0xFFFFFFF0];
	v8 =	vtrunc.f32 v8;
	v13 =	vor.u32 v5, v13;
	v17 =	vshll.u32 v12, $0x1  }
0xcd: {  	v22 =	vld [tilespmem:s24+$0x10];
	v8 =	vcvt.f32.s32 v8;
	v12 =	vshll.u32 v12, $0x2;
	v17 =	vor.u32 v1, v17  }
0xce: {  	v19 =	vor.u32 v2, v12;
	[tilespmem:v14+s30+$0x0] =	vst.idx.add.f32.msk $0xffff, v4  }
0xcf: {  	v21 =	vshll.u32 v8, $0x1;
	v12 =	vor.u32 v5, v12;
	[tilespmem:v15+s31+$0x0] =	vst.idx.add.f32.msk $0xffff, v11  }
0xd0: {  	v21 =	vor.u32 v1, v21;
	v15 =	vld [tilespmem:s17+$0x10]  }
0xd1: {  	v8 =	vshll.u32 v8, $0x2;
	[tilespmem:v13+s31+$0x0] =	vst.idx.add.f32.msk $0xffff, v16;
	v13 =	vtrunc.f32 v18  }
0xd2: {  	v48 =	vmul.f32 v6, v6;
	v50 =	vor.u32 v2, v8;
	[tilespmem:v17+s30+$0x0] =	vst.idx.add.f32.msk $0xffff, v4;
	v13 =	vcvt.f32.s32 v13  }
0xd3: {  	v11 =	vmul.f32 v11, v11;
	[tilespmem:v19+s31+$0x0] =	vst.idx.add.f32.msk $0xffff, v9;
	v9 =	vmul.f32 v16, v16  }
0xd4: {  	v10 =	vadd.f32 v48, v10;
	[tilespmem:v12+s31+$0x0] =	vst.idx.add.f32.msk $0xffff, v6;
	v6 =	vor.u32 v5, v8;
	v49 =	vshll.u32 v13, $0x1  }
0xd5: {  	[tilespmem:v21+s30+$0x0] =	vst.idx.add.f32.msk $0xffff, v4;
	v9 =	vadd.f32 v9, v11;
	v18 =	vor.u32 v1, v49  }
0xd6: {  	v11 =	vshll.u32 v13, $0x2;
	[tilespmem:v17+s1+$0x0] =	vst.idx.add.f32.msk $0xffff, v10;
	v10 =	vmul.f32 v20, v20  }
0xd7: {  	v8 =	vor.u32 v2, v11;
	[tilespmem:v14+s1+$0x0] =	vst.idx.add.f32.msk $0xffff, v9;
	v9 =	vmul.f32 v7, v7  }
0xd8: {  	[tilespmem:v50+s31+$0x0] =	vst.idx.add.f32.msk $0xffff, v20;
	v11 =	vor.u32 v5, v11  }
0xd9: {  	v9 =	vadd.f32 v9, v10;
	[tilespmem:v6+s31+$0x0] =	vst.idx.add.f32.msk $0xffff, v7  }
0xda: {  	v12 =	vmul.f32 v15, v15;
	v10 =	vmul.f32 v22, v22;
	[tilespmem:v18+s30+$0x0] =	vst.idx.add.f32.msk $0xffff, v4  }
0xdb: {  	[tilespmem:v21+s1+$0x0] =	vst.idx.add.f32.msk $0xffff, v9  }
0xdc: {  	v6 =	vadd.f32 v12, v10;
	[tilespmem:v8+s31+$0x0] =	vst.idx.add.f32.msk $0xffff, v22  }
0xdd: {  	[tilespmem:v11+s31+$0x0] =	vst.idx.add.f32.msk $0xffff, v15  }
0xde: {  	[tilespmem:v18+s1+$0x0] =	vst.idx.add.f32.msk $0xffff, v6  }
0xdf: {  	[tilespmem:s2], [sflag:$0x1] =	stream.linear.gather [hbm4b:s9+s2], $0x3D00, $0x38;
	[tilespmem:$0x17300] =	vst v63  }
0xe0: {  	_ = 	snop  }
0xe1: {  	[tilespmem:s20], [sflag:$0x1] =	stream.linear.gather [hbm4b:s10+s2], $0x3D00, $0x38;
	[tilespmem:$0x17300] =	vst v63  }
0xe2: {  	_ = 	snop  }
0xe3: {  	[tilespmem:s21], [sflag:$0x1] =	stream.linear.gather [hbm4b:s11+s2], $0x3D00, $0x38;
	[tilespmem:$0x17300] =	vst v63  }
0xe4: {  	_ =	swait.ge [sflag:s0], $0x3D00  }
0xe5: {  	[sflag:s0] =	ssyncset.done $0x0  }
0xe6: {  	[sflag:s0] =	ssyncadd.s32 $0xFFFFC300  }
0xe7: {  	_ =	swait.ge [sflag:s0], $0x3D00  }
0xe8: {  	[sflag:s0] =	ssyncset.done $0x0  }
0xe9: {  	[sflag:s0] =	ssyncadd.s32 $0xFFFFC300  }
0xea: {  	_ =	swait.ge [sflag:s0], $0x3D00  }
0xeb: {  	[sflag:s0] =	ssyncset.done $0x0  }
0xec: {  	s22 =	simm.s32 $0x13140;
	[sflag:s0] =	ssyncadd.s32 $0xFFFFC300  }
0xed: {  	v6 =	vld [tilespmem:s22+$0x20]  }
0xee: {  	v7 =	vld [tilespmem:s22+$0x0]  }
0xef: {  	v8 =	vld [tilespmem:s22+$0xFFFFFFC0]  }
0xf0: {  	v9 =	vld [tilespmem:s22+$0xFFFFFFE0];
	_ =	sdelay $0x1  }
0xf1: {  	s17 =	simm.s32 $0xF440;
	v6 =	vtrunc.f32 v6  }
0xf2: {  	s23 =	simm.s32 $0xB740;
	v10 =	vld [tilespmem:s17+$0xFFFFFFE0];
	v7 =	vtrunc.f32 v7;
	v6 =	vcvt.f32.s32 v6  }
0xf3: {  	v11 =	vld [tilespmem:s23+$0xFFFFFFE0];
	v8 =	vtrunc.f32 v8;
	v7 =	vcvt.f32.s32 v7  }
0xf4: {  	v12 =	vld [tilespmem:s17+$0x0];
	v9 =	vtrunc.f32 v9;
	v8 =	vcvt.f32.s32 v8;
	v13 =	vshll.u32 v6, $0x1  }
0xf5: {  	v14 =	vld [tilespmem:s23+$0x0];
	v9 =	vcvt.f32.s32 v9;
	v15 =	vshll.u32 v7, $0x1;
	v13 =	vor.u32 v1, v13  }
0xf6: {  	v52 =	vld [tilespmem:s17+$0x20];
	v51 =	vshll.u32 v8, $0x1;
	v15 =	vor.u32 v1, v15  }
0xf7: {  	v53 =	vld [tilespmem:s17+$0xFFFFFFC0];
	v23 =	vshll.u32 v9, $0x1;
	v16 =	vor.u32 v1, v51  }
0xf8: {  	v54 =	vld [tilespmem:s23+$0x20];
	v6 =	vshll.u32 v6, $0x2;
	v23 =	vor.u32 v1, v23  }
0xf9: {  	v56 =	vld [tilespmem:s23+$0xFFFFFFC0];
	v8 =	vshll.u32 v8, $0x2;
	v55 =	vor.u32 v2, v6  }
0xfa: {  	v7 =	vshll.u32 v7, $0x2;
	v57 =	vor.u32 v2, v8;
	[tilespmem:v13+s26+$0x0] =	vst.idx.add.f32.msk $0xffff, v4  }
0xfb: {  	v60 =	vor.u32 v2, v7;
	[tilespmem:v15+s26+$0x0] =	vst.idx.add.f32.msk $0xffff, v4  }
0xfc: {  	v6 =	vor.u32 v5, v6;
	[tilespmem:v16+s26+$0x0] =	vst.idx.add.f32.msk $0xffff, v4  }
0xfd: {  	v8 =	vor.u32 v5, v8;
	[tilespmem:v23+s26+$0x0] =	vst.idx.add.f32.msk $0xffff, v4  }
0xfe: {  	v7 =	vor.u32 v5, v7;
	[tilespmem:v55+s28+$0x0] =	vst.idx.add.f32.msk $0xffff, v54  }
0xff: {  	[tilespmem:v57+s28+$0x0] =	vst.idx.add.f32.msk $0xffff, v56  }
0x100: {  	v58 =	vmul.f32 v53, v53;
	v24 =	vmul.f32 v56, v56;
	[tilespmem:v60+s28+$0x0] =	vst.idx.add.f32.msk $0xffff, v14  }
0x101: {  	[tilespmem:v6+s28+$0x0] =	vst.idx.add.f32.msk $0xffff, v52  }
0x102: {  	v17 =	vmul.f32 v52, v52;
	v6 =	vshll.u32 v9, $0x2;
	[tilespmem:v8+s28+$0x0] =	vst.idx.add.f32.msk $0xffff, v53;
	v8 =	vadd.f32 v58, v24  }
0x103: {  	v9 =	vmul.f32 v54, v54;
	[tilespmem:v7+s28+$0x0] =	vst.idx.add.f32.msk $0xffff, v12;
	v59 =	vor.u32 v2, v6  }
0x104: {  	[tilespmem:v16+s29+$0x0] =	vst.idx.add.f32.msk $0xffff, v8;
	v8 =	vor.u32 v5, v6  }
0x105: {  	v61 =	vadd.f32 v17, v9;
	v6 =	vld [tilespmem:s17+$0xFFFFFFD0]  }
0x106: {  	v9 =	vld [tilespmem:s23+$0xFFFFFFD0]  }
0x107: {  	[tilespmem:v13+s29+$0x0] =	vst.idx.add.f32.msk $0xffff, v61  }
0x108: {  	v62 =	vmul.f32 v11, v11;
	v63 =	vmul.f32 v10, v10;
	[tilespmem:v59+s28+$0x0] =	vst.idx.add.f32.msk $0xffff, v11  }
0x109: {  	[tilespmem:v8+s28+$0x0] =	vst.idx.add.f32.msk $0xffff, v10;
	v8 =	vmul.f32 v14, v14;
	v10 =	vmul.f32 v12, v12  }
0x10a: {  	v13 =	vld [tilespmem:s22+$0x30];
	v11 =	vadd.f32 v63, v62  }
0x10b: {  	v12 =	vld [tilespmem:s22+$0xFFFFFFD0];
	v8 =	vadd.f32 v10, v8  }
0x10c: {  	[tilespmem:v23+s29+$0x0] =	vst.idx.add.f32.msk $0xffff, v11  }
0x10d: {  	[tilespmem:v15+s29+$0x0] =	vst.idx.add.f32.msk $0xffff, v8  }
0x10e: {  	v8 =	vld [tilespmem:s22+$0xFFFFFFF0]  }
0x10f: {  	s5 =	simm.s32 $0x0;
	v11 =	vld [tilespmem:s23+$0x30]  }
0x110: {  	s6 =	simm.s32 $0xF4C0;
	s4 =	simm.s32 $0x13140;
	s24 =	simm.s32 $0xB740;
	v10 =	vmul.f32 v9, v9;
	v7 =	vld [tilespmem:s17+$0xFFFFFFF0];
	v13 =	vtrunc.f32 v13  }
.LBB2_4:
0x111: {  	s5 =	sadd.s32 $0x4, s5;
	v13 =	vcvt.f32.s32 v13;
	v14 =	vld [tilespmem:s17+$0x30];
	s22 =	sadd.s32 $0x80, s22;
	s23 =	sadd.s32 $0x80, s23  }
0x112: {  	v15 =	vld [tilespmem:s22+$0xFFFFFFC0];
	p1 =	slt.u32 s5, $0x1E4;
	v12 =	vtrunc.f32 v12  }
0x113: {  	v16 =	vld [tilespmem:s22+$0x20];
	v8 =	vtrunc.f32 v8;
	v17 =	vshll.u32 v13, $0x1;
	v13 =	vshll.u32 v13, $0x2  }
0x114: {  	v12 =	vcvt.f32.s32 v12;
	v18 =	vld [tilespmem:s22+$0xFFFFFFE0];
	v19 =	vcvt.f32.s32 v8;
	v17 =	vor.u32 v1, v17  }
0x115: {  	v21 =	vor.u32 v2, v13;
	v20 =	vld [tilespmem:s22+$0x0]  }
0x116: {  	v13 =	vor.u32 v5, v13;
	v22 =	vshll.u32 v12, $0x1;
	v12 =	vshll.u32 v12, $0x2;
	v23 =	vld [tilespmem:s4+$0x10];
	s4 =	smov.u32 s22  }
0x117: {  	v22 =	vor.u32 v1, v22;
	v24 =	vshll.u32 v19, $0x1;
	v19 =	vshll.u32 v19, $0x2;
	v8 =	vld [tilespmem:s6+$0xFFFFFFE0]  }
0x118: {  	v25 =	vor.u32 v2, v12;
	v26 =	vld [tilespmem:s24+$0xFFFFFFF0]  }
0x119: {  	[tilespmem:v17+s30+$0x0] =	vst.idx.add.f32.msk $0xffff, v4  }
0x11a: {  	v24 =	vor.u32 v1, v24;
	[tilespmem:v21+s31+$0x0] =	vst.idx.add.f32.msk $0xffff, v11  }
0x11b: {  	v12 =	vor.u32 v5, v12;
	v21 =	vtrunc.f32 v23;
	[tilespmem:v13+s31+$0x0] =	vst.idx.add.f32.msk $0xffff, v14  }
0x11c: {  	[tilespmem:v22+s30+$0x0] =	vst.idx.add.f32.msk $0xffff, v4;
	v13 =	vcvt.f32.s32 v21  }
0x11d: {  	[tilespmem:v25+s31+$0x0] =	vst.idx.add.f32.msk $0xffff, v9;
	v9 =	vmul.f32 v14, v14  }
0x11e: {  	v11 =	vmul.f32 v11, v11;
	v14 =	vmul.f32 v6, v6;
	v21 =	vld [tilespmem:s17+$0x10];
	v23 =	vshll.u32 v13, $0x1;
	s17 =	smov.u32 s6  }
0x11f: {  	v25 =	vor.u32 v2, v19;
	[tilespmem:v24+s30+$0x0] =	vst.idx.add.f32.msk $0xffff, v4;
	v23 =	vor.u32 v1, v23  }
0x120: {  	v13 =	vshll.u32 v13, $0x2;
	v10 =	vadd.f32 v14, v10;
	v9 =	vadd.f32 v9, v11;
	v14 =	vld [tilespmem:s24+$0x10];
	s24 =	smov.u32 s23  }
0x121: {  	v11 =	vor.u32 v2, v13;
	[tilespmem:v12+s31+$0x0] =	vst.idx.add.f32.msk $0xffff, v6;
	v6 =	vor.u32 v5, v19  }
0x122: {  	v12 =	vmul.f32 v7, v7;
	[tilespmem:v17+s1+$0x0] =	vst.idx.add.f32.msk $0xffff, v9  }
0x123: {  	v9 =	vmul.f32 v26, v26;
	[tilespmem:v22+s1+$0x0] =	vst.idx.add.f32.msk $0xffff, v10;
	v10 =	vor.u32 v5, v13  }
0x124: {  	v13 =	vmul.f32 v21, v21;
	[tilespmem:v25+s31+$0x0] =	vst.idx.add.f32.msk $0xffff, v26  }
0x125: {  	v9 =	vadd.f32 v12, v9;
	[tilespmem:v23+s30+$0x0] =	vst.idx.add.f32.msk $0xffff, v4;
	v12 =	vmul.f32 v14, v14  }
0x126: {  	[tilespmem:v6+s31+$0x0] =	vst.idx.add.f32.msk $0xffff, v7  }
0x127: {  	[tilespmem:v11+s31+$0x0] =	vst.idx.add.f32.msk $0xffff, v14;
	v6 =	vadd.f32 v13, v12  }
0x128: {  	v7 =	vtrunc.f32 v15;
	[tilespmem:v24+s1+$0x0] =	vst.idx.add.f32.msk $0xffff, v9  }
0x129: {  	v7 =	vcvt.f32.s32 v7;
	v9 =	vtrunc.f32 v16;
	[tilespmem:v10+s31+$0x0] =	vst.idx.add.f32.msk $0xffff, v21  }
0x12a: {  	v10 =	vtrunc.f32 v20;
	v9 =	vcvt.f32.s32 v9;
	[tilespmem:v23+s1+$0x0] =	vst.idx.add.f32.msk $0xffff, v6  }
0x12b: {  	v11 =	vtrunc.f32 v18;
	v6 =	vshll.u32 v7, $0x1;
	v10 =	vcvt.f32.s32 v10;
	v12 =	vld [tilespmem:s23+$0xFFFFFFE0]  }
0x12c: {  	v11 =	vcvt.f32.s32 v11;
	v7 =	vshll.u32 v7, $0x2;
	v14 =	vshll.u32 v9, $0x1;
	v13 =	vld [tilespmem:s6+$0x0]  }
0x12d: {  	v15 =	vor.u32 v2, v7;
	v17 =	vshll.u32 v10, $0x1;
	v14 =	vor.u32 v1, v14;
	v16 =	vld [tilespmem:s23+$0x0]  }
0x12e: {  	v18 =	vshll.u32 v11, $0x1;
	v9 =	vshll.u32 v9, $0x2;
	v17 =	vor.u32 v1, v17;
	v19 =	vld [tilespmem:s6+$0x20]  }
0x12f: {  	v6 =	vor.u32 v1, v6;
	v18 =	vor.u32 v1, v18;
	v21 =	vor.u32 v5, v9;
	v20 =	vld [tilespmem:s6+$0xFFFFFFC0]  }
0x130: {  	v9 =	vor.u32 v2, v9;
	v22 =	vmul.f32 v12, v12;
	v23 =	vld [tilespmem:s23+$0x20]  }
0x131: {  	v24 =	vld [tilespmem:s23+$0xFFFFFFC0]  }
0x132: {  	v11 =	vshll.u32 v11, $0x2;
	[tilespmem:v14+s26+$0x0] =	vst.idx.add.f32.msk $0xffff, v4  }
0x133: {  	v7 =	vor.u32 v5, v7;
	v25 =	vor.u32 v2, v11;
	[tilespmem:v17+s26+$0x0] =	vst.idx.add.f32.msk $0xffff, v4  }
0x134: {  	[tilespmem:v6+s26+$0x0] =	vst.idx.add.f32.msk $0xffff, v4;
	v26 =	vmul.f32 v20, v20  }
0x135: {  	[tilespmem:v9+s28+$0x0] =	vst.idx.add.f32.msk $0xffff, v23  }
0x136: {  	v11 =	vor.u32 v5, v11;
	v10 =	vshll.u32 v10, $0x2;
	v9 =	vmul.f32 v24, v24;
	[tilespmem:v21+s28+$0x0] =	vst.idx.add.f32.msk $0xffff, v19  }
0x137: {  	[tilespmem:v15+s28+$0x0] =	vst.idx.add.f32.msk $0xffff, v24;
	v15 =	vor.u32 v2, v10  }
0x138: {  	[tilespmem:v7+s28+$0x0] =	vst.idx.add.f32.msk $0xffff, v20;
	v7 =	vadd.f32 v26, v9  }
0x139: {  	v19 =	vmul.f32 v19, v19;
	v9 =	vmul.f32 v23, v23;
	[tilespmem:v18+s26+$0x0] =	vst.idx.add.f32.msk $0xffff, v4  }
0x13a: {  	[tilespmem:v6+s29+$0x0] =	vst.idx.add.f32.msk $0xffff, v7;
	v7 =	vor.u32 v5, v10  }
0x13b: {  	v10 =	vadd.f32 v19, v9;
	v6 =	vld [tilespmem:s6+$0xFFFFFFD0]  }
0x13c: {  	v9 =	vld [tilespmem:s23+$0xFFFFFFD0]  }
0x13d: {  	v19 =	vmul.f32 v8, v8;
	[tilespmem:v14+s29+$0x0] =	vst.idx.add.f32.msk $0xffff, v10  }
0x13e: {  	[tilespmem:v25+s28+$0x0] =	vst.idx.add.f32.msk $0xffff, v12  }
0x13f: {  	v12 =	vadd.f32 v19, v22;
	[tilespmem:v15+s28+$0x0] =	vst.idx.add.f32.msk $0xffff, v16  }
0x140: {  	[tilespmem:v11+s28+$0x0] =	vst.idx.add.f32.msk $0xffff, v8;
	v8 =	vmul.f32 v16, v16;
	v11 =	vmul.f32 v13, v13  }
0x141: {  	v10 =	vmul.f32 v9, v9;
	[tilespmem:v18+s29+$0x0] =	vst.idx.add.f32.msk $0xffff, v12  }
0x142: {  	v8 =	vadd.f32 v11, v8;
	v14 =	vld [tilespmem:s22+$0x30]  }
0x143: {  	[tilespmem:v7+s28+$0x0] =	vst.idx.add.f32.msk $0xffff, v13  }
.Ltmp3:
0x144: {  	[tilespmem:v17+s29+$0x0] =	vst.idx.add.f32.msk $0xffff, v8;
	(pc) =	sbr.rel @p1 .LBB2_4-.Ltmp3, $4  }
0x145: {  	v12 =	vld [tilespmem:s22+$0xFFFFFFD0]  }
0x146: {  	v8 =	vld [tilespmem:s22+$0xFFFFFFF0]  }
0x147: {  	v11 =	vld [tilespmem:s23+$0x30]  }
0x148: {  	s6 =	sadd.s32 $0x80, s6;
	v13 =	vtrunc.f32 v14;
	v7 =	vld [tilespmem:s17+$0xFFFFFFF0]  }
0x149: {  	v13 =	vcvt.f32.s32 v13;
	_ =	sdelay $0x1  }
0x14a: {  	v14 =	vshll.u32 v13, $0x1  }
0x14b: {  	v12 =	vtrunc.f32 v12;
	v13 =	vshll.u32 v13, $0x2;
	v14 =	vor.u32 v1, v14  }
0x14c: {  	v16 =	vld [tilespmem:s17+$0x30];
	v12 =	vcvt.f32.s32 v12;
	v15 =	vor.u32 v2, v13  }
0x14d: {  	v18 =	vld [tilespmem:s4+$0x10]  }
0x14e: {  	v20 =	vld [tilespmem:s24+$0xFFFFFFF0];
	v8 =	vtrunc.f32 v8;
	v13 =	vor.u32 v5, v13;
	v17 =	vshll.u32 v12, $0x1  }
0x14f: {  	v22 =	vld [tilespmem:s24+$0x10];
	v8 =	vcvt.f32.s32 v8;
	v12 =	vshll.u32 v12, $0x2;
	v17 =	vor.u32 v1, v17  }
0x150: {  	v19 =	vor.u32 v2, v12;
	[tilespmem:v14+s30+$0x0] =	vst.idx.add.f32.msk $0xffff, v4  }
0x151: {  	v21 =	vshll.u32 v8, $0x1;
	v12 =	vor.u32 v5, v12;
	[tilespmem:v15+s31+$0x0] =	vst.idx.add.f32.msk $0xffff, v11  }
0x152: {  	v21 =	vor.u32 v1, v21;
	v15 =	vld [tilespmem:s17+$0x10]  }
0x153: {  	v8 =	vshll.u32 v8, $0x2;
	[tilespmem:v13+s31+$0x0] =	vst.idx.add.f32.msk $0xffff, v16;
	v13 =	vtrunc.f32 v18  }
0x154: {  	v48 =	vmul.f32 v6, v6;
	v50 =	vor.u32 v2, v8;
	[tilespmem:v17+s30+$0x0] =	vst.idx.add.f32.msk $0xffff, v4;
	v13 =	vcvt.f32.s32 v13  }
0x155: {  	v11 =	vmul.f32 v11, v11;
	[tilespmem:v19+s31+$0x0] =	vst.idx.add.f32.msk $0xffff, v9;
	v9 =	vmul.f32 v16, v16  }
0x156: {  	v10 =	vadd.f32 v48, v10;
	[tilespmem:v12+s31+$0x0] =	vst.idx.add.f32.msk $0xffff, v6;
	v6 =	vor.u32 v5, v8;
	v49 =	vshll.u32 v13, $0x1  }
0x157: {  	[tilespmem:v21+s30+$0x0] =	vst.idx.add.f32.msk $0xffff, v4;
	v9 =	vadd.f32 v9, v11;
	v18 =	vor.u32 v1, v49  }
0x158: {  	v11 =	vshll.u32 v13, $0x2;
	[tilespmem:v17+s1+$0x0] =	vst.idx.add.f32.msk $0xffff, v10;
	v10 =	vmul.f32 v20, v20  }
0x159: {  	v8 =	vor.u32 v2, v11;
	[tilespmem:v14+s1+$0x0] =	vst.idx.add.f32.msk $0xffff, v9;
	v9 =	vmul.f32 v7, v7  }
0x15a: {  	[tilespmem:v50+s31+$0x0] =	vst.idx.add.f32.msk $0xffff, v20;
	v11 =	vor.u32 v5, v11  }
0x15b: {  	v9 =	vadd.f32 v9, v10;
	[tilespmem:v6+s31+$0x0] =	vst.idx.add.f32.msk $0xffff, v7  }
0x15c: {  	v12 =	vmul.f32 v15, v15;
	v10 =	vmul.f32 v22, v22;
	[tilespmem:v18+s30+$0x0] =	vst.idx.add.f32.msk $0xffff, v4  }
0x15d: {  	[tilespmem:v21+s1+$0x0] =	vst.idx.add.f32.msk $0xffff, v9  }
0x15e: {  	v6 =	vadd.f32 v12, v10;
	[tilespmem:v8+s31+$0x0] =	vst.idx.add.f32.msk $0xffff, v22  }
0x15f: {  	[tilespmem:v11+s31+$0x0] =	vst.idx.add.f32.msk $0xffff, v15  }
0x160: {  	s22 =	simm.s32 $0xB700;
	[tilespmem:v18+s1+$0x0] =	vst.idx.add.f32.msk $0xffff, v6  }
0x161: {  	[tilespmem:s22], [sflag:$0x2] =	stream.linear.gather [hbm4b:s12+s2], $0x3D00, $0x38;
	[tilespmem:$0x17300] =	vst v63  }
0x162: {  	s23 =	simm.s32 $0xF400  }
0x163: {  	[tilespmem:s23], [sflag:$0x2] =	stream.linear.gather [hbm4b:s13+s2], $0x3D00, $0x38;
	[tilespmem:$0x17300] =	vst v63  }
0x164: {  	s24 =	simm.s32 $0x13100  }
0x165: {  	[tilespmem:s24], [sflag:$0x2] =	stream.linear.gather [hbm4b:s14+s2], $0x3D00, $0x38;
	[tilespmem:$0x17300] =	vst v63  }
0x166: {  	_ =	swait.ge [sflag:s25], $0x3D00  }
0x167: {  	[sflag:s25] =	ssyncset.done $0x0  }
0x168: {  	[sflag:s25] =	ssyncadd.s32 $0xFFFFC300  }
0x169: {  	_ =	swait.ge [sflag:s25], $0x3D00  }
0x16a: {  	[sflag:s25] =	ssyncset.done $0x0  }
0x16b: {  	[sflag:s25] =	ssyncadd.s32 $0xFFFFC300  }
0x16c: {  	_ =	swait.ge [sflag:s25], $0x3D00  }
0x16d: {  	[sflag:s25] =	ssyncset.done $0x0  }
0x16e: {  	s22 =	simm.s32 $0x7A40;
	[sflag:s25] =	ssyncadd.s32 $0xFFFFC300  }
0x16f: {  	v6 =	vld [tilespmem:s22+$0x20]  }
0x170: {  	v7 =	vld [tilespmem:s22+$0x0]  }
0x171: {  	v8 =	vld [tilespmem:s22+$0xFFFFFFC0]  }
0x172: {  	v9 =	vld [tilespmem:s22+$0xFFFFFFE0];
	_ =	sdelay $0x1  }
0x173: {  	s17 =	simm.s32 $0x3D40;
	v6 =	vtrunc.f32 v6  }
0x174: {  	s23 =	simm.s32 $0x40;
	v10 =	vld [tilespmem:s17+$0xFFFFFFE0];
	v7 =	vtrunc.f32 v7;
	v6 =	vcvt.f32.s32 v6  }
0x175: {  	v11 =	vld [tilespmem:s23+$0xFFFFFFE0];
	v8 =	vtrunc.f32 v8;
	v7 =	vcvt.f32.s32 v7  }
0x176: {  	v12 =	vld [tilespmem:s17+$0x0];
	v9 =	vtrunc.f32 v9;
	v8 =	vcvt.f32.s32 v8;
	v13 =	vshll.u32 v6, $0x1  }
0x177: {  	v14 =	vld [tilespmem:s23+$0x0];
	v9 =	vcvt.f32.s32 v9;
	v15 =	vshll.u32 v7, $0x1;
	v13 =	vor.u32 v1, v13  }
0x178: {  	v52 =	vld [tilespmem:s17+$0x20];
	v51 =	vshll.u32 v8, $0x1;
	v15 =	vor.u32 v1, v15  }
0x179: {  	v53 =	vld [tilespmem:s17+$0xFFFFFFC0];
	v23 =	vshll.u32 v9, $0x1;
	v16 =	vor.u32 v1, v51  }
0x17a: {  	v54 =	vld [tilespmem:s23+$0x20];
	v6 =	vshll.u32 v6, $0x2;
	v23 =	vor.u32 v1, v23  }
0x17b: {  	v56 =	vld [tilespmem:s23+$0xFFFFFFC0];
	v8 =	vshll.u32 v8, $0x2;
	v55 =	vor.u32 v2, v6  }
0x17c: {  	v7 =	vshll.u32 v7, $0x2;
	v57 =	vor.u32 v2, v8;
	[tilespmem:v13+s26+$0x0] =	vst.idx.add.f32.msk $0xffff, v4  }
0x17d: {  	v60 =	vor.u32 v2, v7;
	[tilespmem:v15+s26+$0x0] =	vst.idx.add.f32.msk $0xffff, v4  }
0x17e: {  	v6 =	vor.u32 v5, v6;
	[tilespmem:v16+s26+$0x0] =	vst.idx.add.f32.msk $0xffff, v4  }
0x17f: {  	v8 =	vor.u32 v5, v8;
	[tilespmem:v23+s26+$0x0] =	vst.idx.add.f32.msk $0xffff, v4  }
0x180: {  	v7 =	vor.u32 v5, v7;
	[tilespmem:v55+s28+$0x0] =	vst.idx.add.f32.msk $0xffff, v54  }
0x181: {  	[tilespmem:v57+s28+$0x0] =	vst.idx.add.f32.msk $0xffff, v56  }
0x182: {  	v58 =	vmul.f32 v53, v53;
	v24 =	vmul.f32 v56, v56;
	[tilespmem:v60+s28+$0x0] =	vst.idx.add.f32.msk $0xffff, v14  }
0x183: {  	[tilespmem:v6+s28+$0x0] =	vst.idx.add.f32.msk $0xffff, v52  }
0x184: {  	v17 =	vmul.f32 v52, v52;
	v6 =	vshll.u32 v9, $0x2;
	[tilespmem:v8+s28+$0x0] =	vst.idx.add.f32.msk $0xffff, v53;
	v8 =	vadd.f32 v58, v24  }
0x185: {  	v9 =	vmul.f32 v54, v54;
	[tilespmem:v7+s28+$0x0] =	vst.idx.add.f32.msk $0xffff, v12;
	v59 =	vor.u32 v2, v6  }
0x186: {  	[tilespmem:v16+s29+$0x0] =	vst.idx.add.f32.msk $0xffff, v8;
	v8 =	vor.u32 v5, v6  }
0x187: {  	v61 =	vadd.f32 v17, v9;
	v6 =	vld [tilespmem:s17+$0xFFFFFFD0]  }
0x188: {  	v9 =	vld [tilespmem:s23+$0xFFFFFFD0]  }
0x189: {  	[tilespmem:v13+s29+$0x0] =	vst.idx.add.f32.msk $0xffff, v61  }
0x18a: {  	v62 =	vmul.f32 v11, v11;
	v63 =	vmul.f32 v10, v10;
	[tilespmem:v59+s28+$0x0] =	vst.idx.add.f32.msk $0xffff, v11  }
0x18b: {  	[tilespmem:v8+s28+$0x0] =	vst.idx.add.f32.msk $0xffff, v10;
	v8 =	vmul.f32 v14, v14;
	v10 =	vmul.f32 v12, v12  }
0x18c: {  	v13 =	vld [tilespmem:s22+$0x30];
	v11 =	vadd.f32 v63, v62  }
0x18d: {  	v12 =	vld [tilespmem:s22+$0xFFFFFFD0];
	v8 =	vadd.f32 v10, v8  }
0x18e: {  	[tilespmem:v23+s29+$0x0] =	vst.idx.add.f32.msk $0xffff, v11  }
0x18f: {  	[tilespmem:v15+s29+$0x0] =	vst.idx.add.f32.msk $0xffff, v8  }
0x190: {  	v8 =	vld [tilespmem:s22+$0xFFFFFFF0]  }
0x191: {  	s5 =	simm.s32 $0x0;
	v11 =	vld [tilespmem:s23+$0x30]  }
0x192: {  	s6 =	simm.s32 $0x3DC0;
	s4 =	simm.s32 $0x7A40;
	s24 =	simm.s32 $0x40;
	v10 =	vmul.f32 v9, v9;
	v7 =	vld [tilespmem:s17+$0xFFFFFFF0];
	v13 =	vtrunc.f32 v13  }
.LBB2_6:
0x193: {  	s5 =	sadd.s32 $0x4, s5;
	v13 =	vcvt.f32.s32 v13;
	v14 =	vld [tilespmem:s17+$0x30];
	s22 =	sadd.s32 $0x80, s22;
	s23 =	sadd.s32 $0x80, s23  }
0x194: {  	v15 =	vld [tilespmem:s22+$0xFFFFFFC0];
	p1 =	slt.u32 s5, $0x1E4;
	v12 =	vtrunc.f32 v12  }
0x195: {  	v16 =	vld [tilespmem:s22+$0x20];
	v8 =	vtrunc.f32 v8;
	v17 =	vshll.u32 v13, $0x1;
	v13 =	vshll.u32 v13, $0x2  }
0x196: {  	v12 =	vcvt.f32.s32 v12;
	v18 =	vld [tilespmem:s22+$0xFFFFFFE0];
	v19 =	vcvt.f32.s32 v8;
	v17 =	vor.u32 v1, v17  }
0x197: {  	v21 =	vor.u32 v2, v13;
	v20 =	vld [tilespmem:s22+$0x0]  }
0x198: {  	v13 =	vor.u32 v5, v13;
	v22 =	vshll.u32 v12, $0x1;
	v12 =	vshll.u32 v12, $0x2;
	v23 =	vld [tilespmem:s4+$0x10];
	s4 =	smov.u32 s22  }
0x199: {  	v22 =	vor.u32 v1, v22;
	v24 =	vshll.u32 v19, $0x1;
	v19 =	vshll.u32 v19, $0x2;
	v8 =	vld [tilespmem:s6+$0xFFFFFFE0]  }
0x19a: {  	v25 =	vor.u32 v2, v12;
	v26 =	vld [tilespmem:s24+$0xFFFFFFF0]  }
0x19b: {  	[tilespmem:v17+s30+$0x0] =	vst.idx.add.f32.msk $0xffff, v4  }
0x19c: {  	v24 =	vor.u32 v1, v24;
	[tilespmem:v21+s31+$0x0] =	vst.idx.add.f32.msk $0xffff, v11  }
0x19d: {  	v12 =	vor.u32 v5, v12;
	v21 =	vtrunc.f32 v23;
	[tilespmem:v13+s31+$0x0] =	vst.idx.add.f32.msk $0xffff, v14  }
0x19e: {  	[tilespmem:v22+s30+$0x0] =	vst.idx.add.f32.msk $0xffff, v4;
	v13 =	vcvt.f32.s32 v21  }
0x19f: {  	[tilespmem:v25+s31+$0x0] =	vst.idx.add.f32.msk $0xffff, v9;
	v9 =	vmul.f32 v14, v14  }
0x1a0: {  	v11 =	vmul.f32 v11, v11;
	v14 =	vmul.f32 v6, v6;
	v21 =	vld [tilespmem:s17+$0x10];
	v23 =	vshll.u32 v13, $0x1;
	s17 =	smov.u32 s6  }
0x1a1: {  	v25 =	vor.u32 v2, v19;
	[tilespmem:v24+s30+$0x0] =	vst.idx.add.f32.msk $0xffff, v4;
	v23 =	vor.u32 v1, v23  }
0x1a2: {  	v13 =	vshll.u32 v13, $0x2;
	v10 =	vadd.f32 v14, v10;
	v9 =	vadd.f32 v9, v11;
	v14 =	vld [tilespmem:s24+$0x10];
	s24 =	smov.u32 s23  }
0x1a3: {  	v11 =	vor.u32 v2, v13;
	[tilespmem:v12+s31+$0x0] =	vst.idx.add.f32.msk $0xffff, v6;
	v6 =	vor.u32 v5, v19  }
0x1a4: {  	v12 =	vmul.f32 v7, v7;
	[tilespmem:v17+s1+$0x0] =	vst.idx.add.f32.msk $0xffff, v9  }
0x1a5: {  	v9 =	vmul.f32 v26, v26;
	[tilespmem:v22+s1+$0x0] =	vst.idx.add.f32.msk $0xffff, v10;
	v10 =	vor.u32 v5, v13  }
0x1a6: {  	v13 =	vmul.f32 v21, v21;
	[tilespmem:v25+s31+$0x0] =	vst.idx.add.f32.msk $0xffff, v26  }
0x1a7: {  	v9 =	vadd.f32 v12, v9;
	[tilespmem:v23+s30+$0x0] =	vst.idx.add.f32.msk $0xffff, v4;
	v12 =	vmul.f32 v14, v14  }
0x1a8: {  	[tilespmem:v6+s31+$0x0] =	vst.idx.add.f32.msk $0xffff, v7  }
0x1a9: {  	[tilespmem:v11+s31+$0x0] =	vst.idx.add.f32.msk $0xffff, v14;
	v6 =	vadd.f32 v13, v12  }
0x1aa: {  	v7 =	vtrunc.f32 v15;
	[tilespmem:v24+s1+$0x0] =	vst.idx.add.f32.msk $0xffff, v9  }
0x1ab: {  	v7 =	vcvt.f32.s32 v7;
	v9 =	vtrunc.f32 v16;
	[tilespmem:v10+s31+$0x0] =	vst.idx.add.f32.msk $0xffff, v21  }
0x1ac: {  	v10 =	vtrunc.f32 v20;
	v9 =	vcvt.f32.s32 v9;
	[tilespmem:v23+s1+$0x0] =	vst.idx.add.f32.msk $0xffff, v6  }
0x1ad: {  	v11 =	vtrunc.f32 v18;
	v6 =	vshll.u32 v7, $0x1;
	v10 =	vcvt.f32.s32 v10;
	v12 =	vld [tilespmem:s23+$0xFFFFFFE0]  }
0x1ae: {  	v11 =	vcvt.f32.s32 v11;
	v7 =	vshll.u32 v7, $0x2;
	v14 =	vshll.u32 v9, $0x1;
	v13 =	vld [tilespmem:s6+$0x0]  }
0x1af: {  	v15 =	vor.u32 v2, v7;
	v17 =	vshll.u32 v10, $0x1;
	v14 =	vor.u32 v1, v14;
	v16 =	vld [tilespmem:s23+$0x0]  }
0x1b0: {  	v18 =	vshll.u32 v11, $0x1;
	v9 =	vshll.u32 v9, $0x2;
	v17 =	vor.u32 v1, v17;
	v19 =	vld [tilespmem:s6+$0x20]  }
0x1b1: {  	v6 =	vor.u32 v1, v6;
	v18 =	vor.u32 v1, v18;
	v21 =	vor.u32 v5, v9;
	v20 =	vld [tilespmem:s6+$0xFFFFFFC0]  }
0x1b2: {  	v9 =	vor.u32 v2, v9;
	v22 =	vmul.f32 v12, v12;
	v23 =	vld [tilespmem:s23+$0x20]  }
0x1b3: {  	v24 =	vld [tilespmem:s23+$0xFFFFFFC0]  }
0x1b4: {  	v11 =	vshll.u32 v11, $0x2;
	[tilespmem:v14+s26+$0x0] =	vst.idx.add.f32.msk $0xffff, v4  }
0x1b5: {  	v7 =	vor.u32 v5, v7;
	v25 =	vor.u32 v2, v11;
	[tilespmem:v17+s26+$0x0] =	vst.idx.add.f32.msk $0xffff, v4  }
0x1b6: {  	[tilespmem:v6+s26+$0x0] =	vst.idx.add.f32.msk $0xffff, v4;
	v26 =	vmul.f32 v20, v20  }
0x1b7: {  	[tilespmem:v9+s28+$0x0] =	vst.idx.add.f32.msk $0xffff, v23  }
0x1b8: {  	v11 =	vor.u32 v5, v11;
	v10 =	vshll.u32 v10, $0x2;
	v9 =	vmul.f32 v24, v24;
	[tilespmem:v21+s28+$0x0] =	vst.idx.add.f32.msk $0xffff, v19  }
0x1b9: {  	[tilespmem:v15+s28+$0x0] =	vst.idx.add.f32.msk $0xffff, v24;
	v15 =	vor.u32 v2, v10  }
0x1ba: {  	[tilespmem:v7+s28+$0x0] =	vst.idx.add.f32.msk $0xffff, v20;
	v7 =	vadd.f32 v26, v9  }
0x1bb: {  	v19 =	vmul.f32 v19, v19;
	v9 =	vmul.f32 v23, v23;
	[tilespmem:v18+s26+$0x0] =	vst.idx.add.f32.msk $0xffff, v4  }
0x1bc: {  	[tilespmem:v6+s29+$0x0] =	vst.idx.add.f32.msk $0xffff, v7;
	v7 =	vor.u32 v5, v10  }
0x1bd: {  	v10 =	vadd.f32 v19, v9;
	v6 =	vld [tilespmem:s6+$0xFFFFFFD0]  }
0x1be: {  	v9 =	vld [tilespmem:s23+$0xFFFFFFD0]  }
0x1bf: {  	v19 =	vmul.f32 v8, v8;
	[tilespmem:v14+s29+$0x0] =	vst.idx.add.f32.msk $0xffff, v10  }
0x1c0: {  	[tilespmem:v25+s28+$0x0] =	vst.idx.add.f32.msk $0xffff, v12  }
0x1c1: {  	v12 =	vadd.f32 v19, v22;
	[tilespmem:v15+s28+$0x0] =	vst.idx.add.f32.msk $0xffff, v16  }
0x1c2: {  	[tilespmem:v11+s28+$0x0] =	vst.idx.add.f32.msk $0xffff, v8;
	v8 =	vmul.f32 v16, v16;
	v11 =	vmul.f32 v13, v13  }
0x1c3: {  	v10 =	vmul.f32 v9, v9;
	[tilespmem:v18+s29+$0x0] =	vst.idx.add.f32.msk $0xffff, v12  }
0x1c4: {  	v8 =	vadd.f32 v11, v8;
	v14 =	vld [tilespmem:s22+$0x30]  }
0x1c5: {  	[tilespmem:v7+s28+$0x0] =	vst.idx.add.f32.msk $0xffff, v13  }
.Ltmp4:
0x1c6: {  	[tilespmem:v17+s29+$0x0] =	vst.idx.add.f32.msk $0xffff, v8;
	(pc) =	sbr.rel @p1 .LBB2_6-.Ltmp4, $4  }
0x1c7: {  	v12 =	vld [tilespmem:s22+$0xFFFFFFD0]  }
0x1c8: {  	v8 =	vld [tilespmem:s22+$0xFFFFFFF0]  }
0x1c9: {  	v11 =	vld [tilespmem:s23+$0x30]  }
0x1ca: {  	s6 =	sadd.s32 $0x80, s6;
	v13 =	vtrunc.f32 v14;
	v7 =	vld [tilespmem:s17+$0xFFFFFFF0]  }
0x1cb: {  	v13 =	vcvt.f32.s32 v13;
	_ =	sdelay $0x1  }
0x1cc: {  	v14 =	vshll.u32 v13, $0x1  }
0x1cd: {  	v12 =	vtrunc.f32 v12;
	v13 =	vshll.u32 v13, $0x2;
	v14 =	vor.u32 v1, v14  }
0x1ce: {  	v16 =	vld [tilespmem:s17+$0x30];
	v12 =	vcvt.f32.s32 v12;
	v15 =	vor.u32 v2, v13  }
0x1cf: {  	v18 =	vld [tilespmem:s4+$0x10]  }
0x1d0: {  	v20 =	vld [tilespmem:s24+$0xFFFFFFF0];
	v8 =	vtrunc.f32 v8;
	v13 =	vor.u32 v5, v13;
	v17 =	vshll.u32 v12, $0x1  }
0x1d1: {  	v22 =	vld [tilespmem:s24+$0x10];
	v8 =	vcvt.f32.s32 v8;
	v12 =	vshll.u32 v12, $0x2;
	v17 =	vor.u32 v1, v17  }
0x1d2: {  	v19 =	vor.u32 v2, v12;
	[tilespmem:v14+s30+$0x0] =	vst.idx.add.f32.msk $0xffff, v4  }
0x1d3: {  	v21 =	vshll.u32 v8, $0x1;
	v12 =	vor.u32 v5, v12;
	[tilespmem:v15+s31+$0x0] =	vst.idx.add.f32.msk $0xffff, v11  }
0x1d4: {  	v21 =	vor.u32 v1, v21;
	v15 =	vld [tilespmem:s17+$0x10]  }
0x1d5: {  	v8 =	vshll.u32 v8, $0x2;
	[tilespmem:v13+s31+$0x0] =	vst.idx.add.f32.msk $0xffff, v16;
	v13 =	vtrunc.f32 v18  }
0x1d6: {  	v48 =	vmul.f32 v6, v6;
	v50 =	vor.u32 v2, v8;
	[tilespmem:v17+s30+$0x0] =	vst.idx.add.f32.msk $0xffff, v4;
	v13 =	vcvt.f32.s32 v13  }
0x1d7: {  	v11 =	vmul.f32 v11, v11;
	[tilespmem:v19+s31+$0x0] =	vst.idx.add.f32.msk $0xffff, v9;
	v9 =	vmul.f32 v16, v16  }
0x1d8: {  	v10 =	vadd.f32 v48, v10;
	[tilespmem:v12+s31+$0x0] =	vst.idx.add.f32.msk $0xffff, v6;
	v6 =	vor.u32 v5, v8;
	v49 =	vshll.u32 v13, $0x1  }
0x1d9: {  	[tilespmem:v21+s30+$0x0] =	vst.idx.add.f32.msk $0xffff, v4;
	v9 =	vadd.f32 v9, v11;
	v18 =	vor.u32 v1, v49  }
0x1da: {  	v11 =	vshll.u32 v13, $0x2;
	[tilespmem:v17+s1+$0x0] =	vst.idx.add.f32.msk $0xffff, v10;
	v10 =	vmul.f32 v20, v20  }
0x1db: {  	v8 =	vor.u32 v2, v11;
	[tilespmem:v14+s1+$0x0] =	vst.idx.add.f32.msk $0xffff, v9;
	v9 =	vmul.f32 v7, v7  }
0x1dc: {  	[tilespmem:v50+s31+$0x0] =	vst.idx.add.f32.msk $0xffff, v20;
	v11 =	vor.u32 v5, v11  }
0x1dd: {  	v9 =	vadd.f32 v9, v10;
	[tilespmem:v6+s31+$0x0] =	vst.idx.add.f32.msk $0xffff, v7  }
0x1de: {  	v12 =	vmul.f32 v15, v15;
	v10 =	vmul.f32 v22, v22;
	[tilespmem:v18+s30+$0x0] =	vst.idx.add.f32.msk $0xffff, v4  }
0x1df: {  	[tilespmem:v21+s1+$0x0] =	vst.idx.add.f32.msk $0xffff, v9  }
0x1e0: {  	v6 =	vadd.f32 v12, v10;
	[tilespmem:v8+s31+$0x0] =	vst.idx.add.f32.msk $0xffff, v22  }
0x1e1: {  	[tilespmem:v11+s31+$0x0] =	vst.idx.add.f32.msk $0xffff, v15  }
0x1e2: {  	[tilespmem:v18+s1+$0x0] =	vst.idx.add.f32.msk $0xffff, v6  }
0x1e3: {  	_ =	swait.ge [sflag:s0], $0x3D00  }
0x1e4: {  	[sflag:s0] =	ssyncset.done $0x0  }
0x1e5: {  	[sflag:s0] =	ssyncadd.s32 $0xFFFFC300  }
0x1e6: {  	_ =	swait.ge [sflag:s0], $0x3D00  }
0x1e7: {  	[sflag:s0] =	ssyncset.done $0x0  }
0x1e8: {  	[sflag:s0] =	ssyncadd.s32 $0xFFFFC300  }
0x1e9: {  	_ =	swait.ge [sflag:s0], $0x3D00  }
0x1ea: {  	[sflag:s0] =	ssyncset.done $0x0  }
0x1eb: {  	s22 =	simm.s32 $0x13140;
	[sflag:s0] =	ssyncadd.s32 $0xFFFFC300  }
0x1ec: {  	v6 =	vld [tilespmem:s22+$0x20]  }
0x1ed: {  	v7 =	vld [tilespmem:s22+$0x0]  }
0x1ee: {  	v8 =	vld [tilespmem:s22+$0xFFFFFFC0]  }
0x1ef: {  	v9 =	vld [tilespmem:s22+$0xFFFFFFE0];
	_ =	sdelay $0x1  }
0x1f0: {  	s17 =	simm.s32 $0xF440;
	v6 =	vtrunc.f32 v6  }
0x1f1: {  	s23 =	simm.s32 $0xB740;
	v10 =	vld [tilespmem:s17+$0xFFFFFFE0];
	v7 =	vtrunc.f32 v7;
	v6 =	vcvt.f32.s32 v6  }
0x1f2: {  	v11 =	vld [tilespmem:s23+$0xFFFFFFE0];
	v8 =	vtrunc.f32 v8;
	v7 =	vcvt.f32.s32 v7  }
0x1f3: {  	v12 =	vld [tilespmem:s17+$0x0];
	v9 =	vtrunc.f32 v9;
	v8 =	vcvt.f32.s32 v8;
	v13 =	vshll.u32 v6, $0x1  }
0x1f4: {  	v14 =	vld [tilespmem:s23+$0x0];
	v9 =	vcvt.f32.s32 v9;
	v15 =	vshll.u32 v7, $0x1;
	v13 =	vor.u32 v1, v13  }
0x1f5: {  	v52 =	vld [tilespmem:s17+$0x20];
	v51 =	vshll.u32 v8, $0x1;
	v15 =	vor.u32 v1, v15  }
0x1f6: {  	v53 =	vld [tilespmem:s17+$0xFFFFFFC0];
	v23 =	vshll.u32 v9, $0x1;
	v16 =	vor.u32 v1, v51  }
0x1f7: {  	v54 =	vld [tilespmem:s23+$0x20];
	v6 =	vshll.u32 v6, $0x2;
	v23 =	vor.u32 v1, v23  }
0x1f8: {  	v56 =	vld [tilespmem:s23+$0xFFFFFFC0];
	v8 =	vshll.u32 v8, $0x2;
	v55 =	vor.u32 v2, v6  }
0x1f9: {  	v7 =	vshll.u32 v7, $0x2;
	v57 =	vor.u32 v2, v8;
	[tilespmem:v13+s26+$0x0] =	vst.idx.add.f32.msk $0xffff, v4  }
0x1fa: {  	v60 =	vor.u32 v2, v7;
	[tilespmem:v15+s26+$0x0] =	vst.idx.add.f32.msk $0xffff, v4  }
0x1fb: {  	v6 =	vor.u32 v5, v6;
	[tilespmem:v16+s26+$0x0] =	vst.idx.add.f32.msk $0xffff, v4  }
0x1fc: {  	v8 =	vor.u32 v5, v8;
	[tilespmem:v23+s26+$0x0] =	vst.idx.add.f32.msk $0xffff, v4  }
0x1fd: {  	v7 =	vor.u32 v5, v7;
	[tilespmem:v55+s28+$0x0] =	vst.idx.add.f32.msk $0xffff, v54  }
0x1fe: {  	[tilespmem:v57+s28+$0x0] =	vst.idx.add.f32.msk $0xffff, v56  }
0x1ff: {  	v58 =	vmul.f32 v53, v53;
	v24 =	vmul.f32 v56, v56;
	[tilespmem:v60+s28+$0x0] =	vst.idx.add.f32.msk $0xffff, v14  }
0x200: {  	[tilespmem:v6+s28+$0x0] =	vst.idx.add.f32.msk $0xffff, v52  }
0x201: {  	v17 =	vmul.f32 v52, v52;
	v6 =	vshll.u32 v9, $0x2;
	[tilespmem:v8+s28+$0x0] =	vst.idx.add.f32.msk $0xffff, v53;
	v8 =	vadd.f32 v58, v24  }
0x202: {  	v9 =	vmul.f32 v54, v54;
	[tilespmem:v7+s28+$0x0] =	vst.idx.add.f32.msk $0xffff, v12;
	v59 =	vor.u32 v2, v6  }
0x203: {  	[tilespmem:v16+s29+$0x0] =	vst.idx.add.f32.msk $0xffff, v8;
	v8 =	vor.u32 v5, v6  }
0x204: {  	v61 =	vadd.f32 v17, v9;
	v6 =	vld [tilespmem:s17+$0xFFFFFFD0]  }
0x205: {  	v9 =	vld [tilespmem:s23+$0xFFFFFFD0]  }
0x206: {  	[tilespmem:v13+s29+$0x0] =	vst.idx.add.f32.msk $0xffff, v61  }
0x207: {  	v62 =	vmul.f32 v11, v11;
	v63 =	vmul.f32 v10, v10;
	[tilespmem:v59+s28+$0x0] =	vst.idx.add.f32.msk $0xffff, v11  }
0x208: {  	[tilespmem:v8+s28+$0x0] =	vst.idx.add.f32.msk $0xffff, v10;
	v8 =	vmul.f32 v14, v14;
	v10 =	vmul.f32 v12, v12  }
0x209: {  	v13 =	vld [tilespmem:s22+$0x30];
	v11 =	vadd.f32 v63, v62  }
0x20a: {  	v12 =	vld [tilespmem:s22+$0xFFFFFFD0];
	v8 =	vadd.f32 v10, v8  }
0x20b: {  	[tilespmem:v23+s29+$0x0] =	vst.idx.add.f32.msk $0xffff, v11  }
0x20c: {  	[tilespmem:v15+s29+$0x0] =	vst.idx.add.f32.msk $0xffff, v8  }
0x20d: {  	v8 =	vld [tilespmem:s22+$0xFFFFFFF0]  }
0x20e: {  	s5 =	simm.s32 $0x0;
	v11 =	vld [tilespmem:s23+$0x30]  }
0x20f: {  	s6 =	simm.s32 $0xF4C0;
	s4 =	simm.s32 $0x13140;
	s24 =	simm.s32 $0xB740;
	v10 =	vmul.f32 v9, v9;
	v7 =	vld [tilespmem:s17+$0xFFFFFFF0];
	v13 =	vtrunc.f32 v13  }
.LBB2_8:
0x210: {  	s5 =	sadd.s32 $0x4, s5;
	v13 =	vcvt.f32.s32 v13;
	v14 =	vld [tilespmem:s17+$0x30];
	s22 =	sadd.s32 $0x80, s22;
	s23 =	sadd.s32 $0x80, s23  }
0x211: {  	v15 =	vld [tilespmem:s22+$0xFFFFFFC0];
	p1 =	slt.u32 s5, $0x1E4;
	v12 =	vtrunc.f32 v12  }
0x212: {  	v16 =	vld [tilespmem:s22+$0x20];
	v8 =	vtrunc.f32 v8;
	v17 =	vshll.u32 v13, $0x1;
	v13 =	vshll.u32 v13, $0x2  }
0x213: {  	v12 =	vcvt.f32.s32 v12;
	v18 =	vld [tilespmem:s22+$0xFFFFFFE0];
	v19 =	vcvt.f32.s32 v8;
	v17 =	vor.u32 v1, v17  }
0x214: {  	v21 =	vor.u32 v2, v13;
	v20 =	vld [tilespmem:s22+$0x0]  }
0x215: {  	v13 =	vor.u32 v5, v13;
	v22 =	vshll.u32 v12, $0x1;
	v12 =	vshll.u32 v12, $0x2;
	v23 =	vld [tilespmem:s4+$0x10];
	s4 =	smov.u32 s22  }
0x216: {  	v22 =	vor.u32 v1, v22;
	v24 =	vshll.u32 v19, $0x1;
	v19 =	vshll.u32 v19, $0x2;
	v8 =	vld [tilespmem:s6+$0xFFFFFFE0]  }
0x217: {  	v25 =	vor.u32 v2, v12;
	v26 =	vld [tilespmem:s24+$0xFFFFFFF0]  }
0x218: {  	[tilespmem:v17+s30+$0x0] =	vst.idx.add.f32.msk $0xffff, v4  }
0x219: {  	v24 =	vor.u32 v1, v24;
	[tilespmem:v21+s31+$0x0] =	vst.idx.add.f32.msk $0xffff, v11  }
0x21a: {  	v12 =	vor.u32 v5, v12;
	v21 =	vtrunc.f32 v23;
	[tilespmem:v13+s31+$0x0] =	vst.idx.add.f32.msk $0xffff, v14  }
0x21b: {  	[tilespmem:v22+s30+$0x0] =	vst.idx.add.f32.msk $0xffff, v4;
	v13 =	vcvt.f32.s32 v21  }
0x21c: {  	[tilespmem:v25+s31+$0x0] =	vst.idx.add.f32.msk $0xffff, v9;
	v9 =	vmul.f32 v14, v14  }
0x21d: {  	v11 =	vmul.f32 v11, v11;
	v14 =	vmul.f32 v6, v6;
	v21 =	vld [tilespmem:s17+$0x10];
	v23 =	vshll.u32 v13, $0x1;
	s17 =	smov.u32 s6  }
0x21e: {  	v25 =	vor.u32 v2, v19;
	[tilespmem:v24+s30+$0x0] =	vst.idx.add.f32.msk $0xffff, v4;
	v23 =	vor.u32 v1, v23  }
0x21f: {  	v13 =	vshll.u32 v13, $0x2;
	v10 =	vadd.f32 v14, v10;
	v9 =	vadd.f32 v9, v11;
	v14 =	vld [tilespmem:s24+$0x10];
	s24 =	smov.u32 s23  }
0x220: {  	v11 =	vor.u32 v2, v13;
	[tilespmem:v12+s31+$0x0] =	vst.idx.add.f32.msk $0xffff, v6;
	v6 =	vor.u32 v5, v19  }
0x221: {  	v12 =	vmul.f32 v7, v7;
	[tilespmem:v17+s1+$0x0] =	vst.idx.add.f32.msk $0xffff, v9  }
0x222: {  	v9 =	vmul.f32 v26, v26;
	[tilespmem:v22+s1+$0x0] =	vst.idx.add.f32.msk $0xffff, v10;
	v10 =	vor.u32 v5, v13  }
0x223: {  	v13 =	vmul.f32 v21, v21;
	[tilespmem:v25+s31+$0x0] =	vst.idx.add.f32.msk $0xffff, v26  }
0x224: {  	v9 =	vadd.f32 v12, v9;
	[tilespmem:v23+s30+$0x0] =	vst.idx.add.f32.msk $0xffff, v4;
	v12 =	vmul.f32 v14, v14  }
0x225: {  	[tilespmem:v6+s31+$0x0] =	vst.idx.add.f32.msk $0xffff, v7  }
0x226: {  	[tilespmem:v11+s31+$0x0] =	vst.idx.add.f32.msk $0xffff, v14;
	v6 =	vadd.f32 v13, v12  }
0x227: {  	v7 =	vtrunc.f32 v15;
	[tilespmem:v24+s1+$0x0] =	vst.idx.add.f32.msk $0xffff, v9  }
0x228: {  	v7 =	vcvt.f32.s32 v7;
	v9 =	vtrunc.f32 v16;
	[tilespmem:v10+s31+$0x0] =	vst.idx.add.f32.msk $0xffff, v21  }
0x229: {  	v10 =	vtrunc.f32 v20;
	v9 =	vcvt.f32.s32 v9;
	[tilespmem:v23+s1+$0x0] =	vst.idx.add.f32.msk $0xffff, v6  }
0x22a: {  	v11 =	vtrunc.f32 v18;
	v6 =	vshll.u32 v7, $0x1;
	v10 =	vcvt.f32.s32 v10;
	v12 =	vld [tilespmem:s23+$0xFFFFFFE0]  }
0x22b: {  	v11 =	vcvt.f32.s32 v11;
	v7 =	vshll.u32 v7, $0x2;
	v14 =	vshll.u32 v9, $0x1;
	v13 =	vld [tilespmem:s6+$0x0]  }
0x22c: {  	v15 =	vor.u32 v2, v7;
	v17 =	vshll.u32 v10, $0x1;
	v14 =	vor.u32 v1, v14;
	v16 =	vld [tilespmem:s23+$0x0]  }
0x22d: {  	v18 =	vshll.u32 v11, $0x1;
	v9 =	vshll.u32 v9, $0x2;
	v17 =	vor.u32 v1, v17;
	v19 =	vld [tilespmem:s6+$0x20]  }
0x22e: {  	v6 =	vor.u32 v1, v6;
	v18 =	vor.u32 v1, v18;
	v21 =	vor.u32 v5, v9;
	v20 =	vld [tilespmem:s6+$0xFFFFFFC0]  }
0x22f: {  	v9 =	vor.u32 v2, v9;
	v22 =	vmul.f32 v12, v12;
	v23 =	vld [tilespmem:s23+$0x20]  }
0x230: {  	v24 =	vld [tilespmem:s23+$0xFFFFFFC0]  }
0x231: {  	v11 =	vshll.u32 v11, $0x2;
	[tilespmem:v14+s26+$0x0] =	vst.idx.add.f32.msk $0xffff, v4  }
0x232: {  	v7 =	vor.u32 v5, v7;
	v25 =	vor.u32 v2, v11;
	[tilespmem:v17+s26+$0x0] =	vst.idx.add.f32.msk $0xffff, v4  }
0x233: {  	[tilespmem:v6+s26+$0x0] =	vst.idx.add.f32.msk $0xffff, v4;
	v26 =	vmul.f32 v20, v20  }
0x234: {  	[tilespmem:v9+s28+$0x0] =	vst.idx.add.f32.msk $0xffff, v23  }
0x235: {  	v11 =	vor.u32 v5, v11;
	v10 =	vshll.u32 v10, $0x2;
	v9 =	vmul.f32 v24, v24;
	[tilespmem:v21+s28+$0x0] =	vst.idx.add.f32.msk $0xffff, v19  }
0x236: {  	[tilespmem:v15+s28+$0x0] =	vst.idx.add.f32.msk $0xffff, v24;
	v15 =	vor.u32 v2, v10  }
0x237: {  	[tilespmem:v7+s28+$0x0] =	vst.idx.add.f32.msk $0xffff, v20;
	v7 =	vadd.f32 v26, v9  }
0x238: {  	v19 =	vmul.f32 v19, v19;
	v9 =	vmul.f32 v23, v23;
	[tilespmem:v18+s26+$0x0] =	vst.idx.add.f32.msk $0xffff, v4  }
0x239: {  	[tilespmem:v6+s29+$0x0] =	vst.idx.add.f32.msk $0xffff, v7;
	v7 =	vor.u32 v5, v10  }
0x23a: {  	v10 =	vadd.f32 v19, v9;
	v6 =	vld [tilespmem:s6+$0xFFFFFFD0]  }
0x23b: {  	v9 =	vld [tilespmem:s23+$0xFFFFFFD0]  }
0x23c: {  	v19 =	vmul.f32 v8, v8;
	[tilespmem:v14+s29+$0x0] =	vst.idx.add.f32.msk $0xffff, v10  }
0x23d: {  	[tilespmem:v25+s28+$0x0] =	vst.idx.add.f32.msk $0xffff, v12  }
0x23e: {  	v12 =	vadd.f32 v19, v22;
	[tilespmem:v15+s28+$0x0] =	vst.idx.add.f32.msk $0xffff, v16  }
0x23f: {  	[tilespmem:v11+s28+$0x0] =	vst.idx.add.f32.msk $0xffff, v8;
	v8 =	vmul.f32 v16, v16;
	v11 =	vmul.f32 v13, v13  }
0x240: {  	v10 =	vmul.f32 v9, v9;
	[tilespmem:v18+s29+$0x0] =	vst.idx.add.f32.msk $0xffff, v12  }
0x241: {  	v8 =	vadd.f32 v11, v8;
	v14 =	vld [tilespmem:s22+$0x30]  }
0x242: {  	[tilespmem:v7+s28+$0x0] =	vst.idx.add.f32.msk $0xffff, v13  }
.Ltmp5:
0x243: {  	[tilespmem:v17+s29+$0x0] =	vst.idx.add.f32.msk $0xffff, v8;
	(pc) =	sbr.rel @p1 .LBB2_8-.Ltmp5, $4  }
0x244: {  	v12 =	vld [tilespmem:s22+$0xFFFFFFD0]  }
0x245: {  	v8 =	vld [tilespmem:s22+$0xFFFFFFF0]  }
0x246: {  	v11 =	vld [tilespmem:s23+$0x30]  }
0x247: {  	s6 =	sadd.s32 $0x80, s6;
	v13 =	vtrunc.f32 v14;
	v7 =	vld [tilespmem:s17+$0xFFFFFFF0]  }
0x248: {  	v13 =	vcvt.f32.s32 v13;
	_ =	sdelay $0x1  }
0x249: {  	v12 =	vtrunc.f32 v12;
	v14 =	vshll.u32 v13, $0x1  }
0x24a: {  	v16 =	vld [tilespmem:s17+$0x30];
	v13 =	vshll.u32 v13, $0x2;
	v12 =	vcvt.f32.s32 v12;
	v14 =	vor.u32 v1, v14  }
0x24b: {  	v18 =	vld [tilespmem:s4+$0x10];
	v15 =	vor.u32 v2, v13  }
0x24c: {  	v20 =	vld [tilespmem:s24+$0xFFFFFFF0];
	v8 =	vtrunc.f32 v8;
	v13 =	vor.u32 v5, v13;
	v17 =	vshll.u32 v12, $0x1  }
0x24d: {  	v52 =	vld [tilespmem:s17+$0x10];
	v8 =	vcvt.f32.s32 v8;
	v12 =	vshll.u32 v12, $0x2;
	v17 =	vor.u32 v1, v17  }
0x24e: {  	v57 =	vld [tilespmem:s24+$0x10];
	v19 =	vor.u32 v2, v12  }
0x24f: {  	v21 =	vshll.u32 v8, $0x1;
	v12 =	vor.u32 v5, v12;
	[tilespmem:v14+s30+$0x0] =	vst.idx.add.f32.msk $0xffff, v4  }
0x250: {  	v8 =	vshll.u32 v8, $0x2;
	v21 =	vor.u32 v1, v21;
	[tilespmem:v15+s31+$0x0] =	vst.idx.add.f32.msk $0xffff, v11  }
0x251: {  	v50 =	vtrunc.f32 v18;
	v56 =	vor.u32 v2, v8;
	[tilespmem:v13+s31+$0x0] =	vst.idx.add.f32.msk $0xffff, v16  }
0x252: {  	[tilespmem:v17+s30+$0x0] =	vst.idx.add.f32.msk $0xffff, v4;
	v13 =	vcvt.f32.s32 v50  }
0x253: {  	v53 =	vmul.f32 v11, v11;
	v51 =	vmul.f32 v16, v16;
	[tilespmem:v19+s31+$0x0] =	vst.idx.add.f32.msk $0xffff, v9  }
0x254: {  	v54 =	vmul.f32 v6, v6;
	v55 =	vshll.u32 v13, $0x1;
	[tilespmem:v12+s31+$0x0] =	vst.idx.add.f32.msk $0xffff, v6;
	v6 =	vor.u32 v5, v8  }
0x255: {  	[tilespmem:v21+s30+$0x0] =	vst.idx.add.f32.msk $0xffff, v4;
	v9 =	vadd.f32 v51, v53;
	v18 =	vor.u32 v1, v55  }
0x256: {  	v10 =	vadd.f32 v54, v10;
	v59 =	vmul.f32 v7, v7;
	v13 =	vshll.u32 v13, $0x2;
	[tilespmem:v56+s31+$0x0] =	vst.idx.add.f32.msk $0xffff, v20  }
0x257: {  	v60 =	vmul.f32 v20, v20;
	v58 =	vor.u32 v2, v13;
	[tilespmem:v14+s1+$0x0] =	vst.idx.add.f32.msk $0xffff, v9  }
0x258: {  	[tilespmem:v17+s1+$0x0] =	vst.idx.add.f32.msk $0xffff, v10;
	v61 =	vor.u32 v5, v13  }
0x259: {  	v9 =	vadd.f32 v59, v60;
	[tilespmem:v6+s31+$0x0] =	vst.idx.add.f32.msk $0xffff, v7  }
.Ltmp6:
0x25a: {  	v62 =	vmul.f32 v52, v52;
	v63 =	vmul.f32 v57, v57;
	[tilespmem:v18+s30+$0x0] =	vst.idx.add.f32.msk $0xffff, v4;
	(pc) =	sbr.rel @p0 .LBB2_11-.Ltmp6, $4  }
0x25b: {  	[tilespmem:v21+s1+$0x0] =	vst.idx.add.f32.msk $0xffff, v9  }
0x25c: {  	v6 =	vadd.f32 v62, v63;
	[tilespmem:v58+s31+$0x0] =	vst.idx.add.f32.msk $0xffff, v57  }
0x25d: {  	[tilespmem:v61+s31+$0x0] =	vst.idx.add.f32.msk $0xffff, v52  }
0x25e: {  	[tilespmem:v18+s1+$0x0] =	vst.idx.add.f32.msk $0xffff, v6  }
0x25f: {  	s4 =	rddreg [dreg:$0x6]  }
0x260: {  	[tilespmem:s2], [sflag:$0x3] =	stream.linear.gather [hbm4b:s4+s2], $0x40, $0x38;
	[tilespmem:$0x17300] =	vst v63  }
0x261: {  	_ =	swait.ge [sflag:s15], $0x40  }
0x262: {  	[sflag:s15] =	ssyncset.done $0x0  }
0x263: {  	s23 =	rddreg [dreg:$0x7];
	[sflag:s15] =	ssyncadd.s32 $0xFFFFFFC0  }
0x264: {  	[tilespmem:s20], [sflag:$0x3] =	stream.linear.gather [hbm4b:s23+s2], $0x40, $0x38;
	[tilespmem:$0x17300] =	vst v63  }
0x265: {  	_ =	swait.ge [sflag:s15], $0x40  }
0x266: {  	[sflag:s15] =	ssyncset.done $0x0  }
0x267: {  	s24 =	rddreg [dreg:$0x8];
	[sflag:s15] =	ssyncadd.s32 $0xFFFFFFC0  }
0x268: {  	[tilespmem:s21], [sflag:$0x3] =	stream.linear.gather [hbm4b:s24+s2], $0x40, $0x38;
	[tilespmem:$0x17300] =	vst v63  }
0x269: {  	_ =	swait.ge [sflag:s15], $0x40  }
0x26a: {  	[sflag:s15] =	ssyncset.done $0x0  }
0x26b: {  	[sflag:s15] =	ssyncadd.s32 $0xFFFFFFC0  }
0x26c: {  	v6 =	vld [tilespmem:$0x7A00];
	_ =	sdelay $0x4  }
0x26d: {  	v6 =	vtrunc.f32 v6  }
0x26e: {  	v6 =	vcvt.f32.s32 v6  }
0x26f: {  	v7 =	vld [tilespmem:$0x0]  }
0x270: {  	v8 =	vld [tilespmem:$0x3D00];
	v9 =	vshll.u32 v6, $0x1  }
0x271: {  	v6 =	vshll.u32 v6, $0x2;
	v9 =	vor.u32 v1, v9  }
0x272: {  	v10 =	vor.u32 v2, v6  }
0x273: {  	v6 =	vor.u32 v5, v6;
	_ =	sdelay $0x1  }
0x274: {  	v11 =	vmul.f32 v7, v7;
	v12 =	vmul.f32 v8, v8  }
0x275: {  	[tilespmem:v9+s26+$0x0] =	vst.idx.add.f32.msk $0xffff, v4  }
0x276: {  	[tilespmem:v10+s28+$0x0] =	vst.idx.add.f32.msk $0xffff, v7;
	v7 =	vadd.f32 v12, v11  }
0x277: {  	[tilespmem:v6+s28+$0x0] =	vst.idx.add.f32.msk $0xffff, v8  }
0x278: {  	[tilespmem:v9+s29+$0x0] =	vst.idx.add.f32.msk $0xffff, v7  }
0x279: {  	v6 =	vld [tilespmem:$0x7A10];
	_ =	sdelay $0x4  }
0x27a: {  	v6 =	vtrunc.f32 v6  }
0x27b: {  	v6 =	vcvt.f32.s32 v6  }
0x27c: {  	v7 =	vld [tilespmem:$0x10]  }
0x27d: {  	v8 =	vld [tilespmem:$0x3D10];
	v52 =	vshll.u32 v6, $0x1  }
0x27e: {  	v6 =	vshll.u32 v6, $0x2;
	v9 =	vor.u32 v1, v52  }
0x27f: {  	v53 =	vor.u32 v2, v6  }
0x280: {  	v6 =	vor.u32 v5, v6;
	_ =	sdelay $0x1  }
0x281: {  	v54 =	vmul.f32 v7, v7;
	v55 =	vmul.f32 v8, v8  }
0x282: {  	[tilespmem:v9+s26+$0x0] =	vst.idx.add.f32.msk $0xffff, v4  }
0x283: {  	[tilespmem:v53+s28+$0x0] =	vst.idx.add.f32.msk $0xffff, v7;
	v7 =	vadd.f32 v55, v54  }
0x284: {  	[tilespmem:v6+s28+$0x0] =	vst.idx.add.f32.msk $0xffff, v8  }
0x285: {  	[tilespmem:v9+s29+$0x0] =	vst.idx.add.f32.msk $0xffff, v7  }
0x286: {  	v6 =	vld [tilespmem:$0x7A20];
	_ =	sdelay $0x4  }
0x287: {  	v6 =	vtrunc.f32 v6  }
0x288: {  	v6 =	vcvt.f32.s32 v6  }
0x289: {  	v7 =	vld [tilespmem:$0x20]  }
0x28a: {  	v8 =	vld [tilespmem:$0x3D20];
	v56 =	vshll.u32 v6, $0x1  }
0x28b: {  	v6 =	vshll.u32 v6, $0x2;
	v9 =	vor.u32 v1, v56  }
0x28c: {  	v57 =	vor.u32 v2, v6  }
0x28d: {  	v6 =	vor.u32 v5, v6;
	_ =	sdelay $0x1  }
0x28e: {  	v58 =	vmul.f32 v7, v7;
	v59 =	vmul.f32 v8, v8  }
0x28f: {  	[tilespmem:v9+s26+$0x0] =	vst.idx.add.f32.msk $0xffff, v4  }
0x290: {  	[tilespmem:v57+s28+$0x0] =	vst.idx.add.f32.msk $0xffff, v7;
	v7 =	vadd.f32 v59, v58  }
0x291: {  	[tilespmem:v6+s28+$0x0] =	vst.idx.add.f32.msk $0xffff, v8  }
0x292: {  	[tilespmem:v9+s29+$0x0] =	vst.idx.add.f32.msk $0xffff, v7  }
0x293: {  	v6 =	vld [tilespmem:$0x7A30];
	_ =	sdelay $0x4  }
0x294: {  	v6 =	vtrunc.f32 v6  }
0x295: {  	v6 =	vcvt.f32.s32 v6  }
0x296: {  	v7 =	vld [tilespmem:$0x30]  }
0x297: {  	v8 =	vld [tilespmem:$0x3D30];
	v60 =	vshll.u32 v6, $0x1  }
0x298: {  	v6 =	vshll.u32 v6, $0x2;
	v9 =	vor.u32 v1, v60  }
0x299: {  	v61 =	vor.u32 v2, v6  }
0x29a: {  	v6 =	vor.u32 v5, v6;
	_ =	sdelay $0x1  }
.Ltmp7:
0x29b: {  	v62 =	vmul.f32 v7, v7;
	v63 =	vmul.f32 v8, v8;
	(pc) =	sbr.rel .LBB2_11-.Ltmp7, $4  }
0x29c: {  	[tilespmem:v9+s26+$0x0] =	vst.idx.add.f32.msk $0xffff, v4  }
0x29d: {  	[tilespmem:v61+s28+$0x0] =	vst.idx.add.f32.msk $0xffff, v7;
	v7 =	vadd.f32 v63, v62  }
0x29e: {  	[tilespmem:v6+s28+$0x0] =	vst.idx.add.f32.msk $0xffff, v8  }
0x29f: {  	[tilespmem:v9+s29+$0x0] =	vst.idx.add.f32.msk $0xffff, v7  }
.LBB2_12:
0x2a0: {  	_ =	sfence.sel $0x180000  }
0x2a1: {  	[bflag:$0x0] =	sbarrier.arrive $0xFFFF  }
0x2a2: {  	_ =	strace $0x90000047  }
0x2a3: {  	s0 =	stileid.u32;
	[bflag:$0x2] =	sbarrier.arrive $0xFFFF  }
0x2a4: {  	p0 =	sne.s32 s0, $0x0;
	s0 =	rddreg [dreg:$0x2]  }
0x2a5: {  	s0 =	sadd.s32 @!p0 $0x100000, s0  }
0x2a6: {  	[sflag:s0] =	ssyncadd.tile.s32 @!p0 $0x1;
	_ =	shalt  }
.Lfunc_end2:
_tile_overlayer_lowered:
.L_overlay_start_2:
0x2a7: {  	(tag) =	ssettag $0x2  }
0x2a8: {  	s0 =	rddreg [dreg:$0x0];
	s2 =	stileid.u32  }
0x2a9: {  	s1 =	rddreg [dreg:$0x1];
	p0 =	sne.s32 s2, $0x0  }
0x2aa: {  	s3 =	rddreg [dreg:$0x2];
	[bflag:$0x3] =	sbarrier.arrive $0xFFFF;
	s2 =	simm.s32 @!p0 $0x1C03  }
0x2ab: {  	[timem:s3], [sflag:s2] =	dma.local @!p0 [hbm:s0], s1  }
0x2ac: {  	s0 =	simm.s32 @!p0 $0x3  }
0x2ad: {  	_ =	swait.ge @!p0 [sflag:s0], s1  }
0x2ae: {  	s1 =	ssub.s32 @!p0 $0x0, s1;
	[sflag:s0] =	ssyncset.done @!p0 $0x0  }
0x2af: {  	[sflag:s0] =	ssyncadd.s32 @!p0 s1  }
0x2b0: {  	[bflag:$0x3] =	sbarrier.arrive $0xFFFF  }
0x2b1: {  	_ =	shalt  }

</sc_bundles>
